<compile_context>
chip_gen: v7x
topology: tpu7x:2x2x1
jax: 0.10.2.dev20260603
libtpu: 0.0.44.dev20260713+nightly
codegen_flags: <defaults>
</compile_context>

<pallas_src>
import functools

import jax
import jax.numpy as jnp
from jax import lax
from jax.experimental import pallas as pl
from jax.experimental.pallas import tpu as pltpu
from jax.experimental.pallas import tpu_sc as plsc

N = 32768
C = 64
P = 32
M = 128
S = 16
_C0 = 0.99998 / 0.99999 / (M - 1)


def _ce_pass(key, li, block, dist):
    up = pltpu.roll(key, N - dist, 1)
    dn = pltpu.roll(key, dist, 1)
    h = (li & dist) == 0
    asc = (li & block) == 0
    partner = jnp.where(h, up, dn)
    take_min = h == asc
    return jnp.where(take_min, jnp.minimum(key, partner),
                     jnp.maximum(key, partner))


def _prep_body(xt_ref, tv_ref, seg_ref, key_out, fmin_out, scale_out,
               idxg_out, idxm_out, frac_out):
    tv = tv_ref[...]
    w = tv / jnp.sqrt(jnp.sum(tv * tv, axis=1, keepdims=True))
    xs = lax.dot_general(w, xt_ref[...], (((1,), (0,)), ((), ())),
                         preferred_element_type=jnp.float32)
    fmin = jnp.min(xs, axis=1, keepdims=True)
    fmax = jnp.max(xs, axis=1, keepdims=True)
    scale = fmax - fmin + 1e-12
    fmin_out[...] = fmin
    scale_out[...] = scale

    seg2d = seg_ref[...]
    cnt = [jnp.sum((seg2d == e).astype(jnp.int32)) for e in range(S)]
    ptrs = []
    run = jnp.int32(0)
    for e in range(S):
        ptrs.append(run)
        run = run + cnt[e]

    li = lax.broadcasted_iota(jnp.int32, (1, N), 1)
    segb = jnp.zeros((1, N), jnp.int32)
    for e in range(1, S):
        segb = segb + (li >= ptrs[e]).astype(jnp.int32)

    key = (xs - fmin) / scale * 0.998 + 0.001 + segb.astype(jnp.float32)

    def stage(s, k):
        block = jnp.int32(2) << s

        def cond(c):
            return c[0] >= 1

        def body(c):
            dist, kk = c
            return (dist // 2, _ce_pass(kk, li, block, dist))

        _, k = lax.while_loop(cond, body, (block // 2, k))
        return k

    key_out[...] = lax.fori_loop(0, 15, stage, key)

    jj = lax.broadcasted_iota(jnp.int32, (1, M), 1).astype(jnp.float32)
    base = jj * _C0
    for e in range(S):
        dreal = cnt[e]
        daug = jnp.where(dreal == 1, 2, dreal)
        t = base * (daug - 1).astype(jnp.float32)
        ilo = jnp.floor(t)
        fr = t - ilo
        ilo = ilo.astype(jnp.int32)
        cap = dreal - 1
        lo = jnp.maximum(ptrs[e] + jnp.minimum(ilo, cap), 0)
        hi = jnp.maximum(ptrs[e] + jnp.minimum(ilo + 1, cap), 0)
        idxg_out[pl.ds(e, 1), :] = lo >> 2
        idxg_out[pl.ds(S + e, 1), :] = hi >> 2
        idxm_out[pl.ds(e, 1), :] = lo & 3
        idxm_out[pl.ds(S + e, 1), :] = hi & 3
        frac_out[pl.ds(e, 1), :] = fr


def _finish_body(v_ref, qm_ref, frac_ref, fmin_ref, scale_ref, wt_ref,
                 ref_ref, out_ref):
    rows = v_ref[...]
    qm = qm_ref[...]
    v = jnp.zeros((2 * S * M, P), jnp.float32)
    for q in range(4):
        v = v + jnp.where(qm == q, rows[:, q * P:(q + 1) * P], 0.0)
    segf = jnp.floor(v)
    vals = (v - segf - 0.001) * (1.0 / 0.998) * scale_ref[...] + fmin_ref[...]
    vlo = vals[:S * M]
    vhi = vals[S * M:]
    f = frac_ref[...]
    yq = vlo + f * (vhi - vlo)
    wt = wt_ref[...]
    refp = ref_ref[...]
    c = jnp.mean(wt * refp, axis=0, keepdims=True)
    s = jnp.sum(yq.reshape(S, M, P) * wt[None, :, :], axis=1)
    out_ref[...] = c - s * (1.0 / M)


@functools.cache
def _make_sc_gather():
    info = plsc.get_sparse_core_info()
    nw = info.num_cores * info.num_subcores
    b = 2 * S * M
    bpw = b // nw
    mesh = plsc.VectorSubcoreMesh(core_axis_name="c", subcore_axis_name="s")

    @functools.partial(
        pl.kernel, mesh=mesh,
        out_type=jax.ShapeDtypeStruct((b, 4 * P), jnp.float32),
        scratch_types=[
            pltpu.VMEM((bpw,), jnp.int32),
            pltpu.VMEM((bpw, 4 * P), jnp.float32),
            pltpu.SemaphoreType.DMA,
        ],
    )
    def sc_gather(idx_hbm, table_hbm, out_hbm, idx_v, rows_v, sem):
        wid = lax.axis_index("s") * info.num_cores + lax.axis_index("c")
        base = wid * bpw
        pltpu.sync_copy(idx_hbm.at[pl.ds(base, bpw)], idx_v)
        pltpu.async_copy(table_hbm.at[idx_v], rows_v, sem).wait()
        pltpu.sync_copy(rows_v, out_hbm.at[pl.ds(base, bpw)])

    return sc_gather


def kernel(X, hyperedge_index, theta_v, reference_pts, weight):
    seg2d = hyperedge_index.astype(jnp.int32).reshape(N // M, M)
    key_sorted, fmin, scale, idxg2d, idxm2d, frac2d = pl.pallas_call(
        _prep_body,
        out_shape=[
            jax.ShapeDtypeStruct((P, N), jnp.float32),
            jax.ShapeDtypeStruct((P, 1), jnp.float32),
            jax.ShapeDtypeStruct((P, 1), jnp.float32),
            jax.ShapeDtypeStruct((2 * S, M), jnp.int32),
            jax.ShapeDtypeStruct((2 * S, M), jnp.int32),
            jax.ShapeDtypeStruct((S, M), jnp.float32),
        ],
    )(X.T, theta_v, seg2d)

    table = key_sorted.T.reshape(N // 4, 4 * P)
    gathered = _make_sc_gather()(idxg2d.reshape(2 * S * M), table)

    out = pl.pallas_call(
        _finish_body,
        out_shape=jax.ShapeDtypeStruct((S, P), jnp.float32),
    )(gathered, idxm2d.reshape(2 * S * M, 1), frac2d.reshape(S * M, 1),
      fmin.reshape(1, P), scale.reshape(1, P), weight.T, reference_pts)
    edges = jnp.arange(S, dtype=hyperedge_index.dtype)
    return (out, edges)

# --- scband reference (transcript-rebuilt; emitter-appended) ---
"""Pipeline reference for scband-whnn-aggregation-layer-63290638074193 (READ-ONLY COPY).

The authoritative reference and input builder live on the scoring server;
editing this copy changes nothing except your own understanding.
"""

import jax, jax.numpy as jnp
import numpy as np


def setup_inputs(seed: int = 0):
    key = jax.random.key(seed)
    k1, k2, k3 = jax.random.split(key, 3)
    N, C, P, M, S = 32768, 64, 32, 128, 16
    X = jax.random.normal(k1, (N, C), dtype=jnp.float32)
    hyperedge_index = jnp.sort(jax.random.randint(k2, (N,), 0, S))
    # parameters (FPSWE pool_v2e): weight-norm v (eye init since P<=C), frozen uniform reference, xavier weight
    theta_v = jnp.eye(P, C, dtype=jnp.float32)
    reference_pts = jnp.tile(jnp.linspace(-1.0, 1.0, M, dtype=jnp.float32)[:, None], (1, P))
    a = float(np.sqrt(6.0 / (P + M)))
    weight = jax.random.uniform(k3, (P, M), dtype=jnp.float32, minval=-a, maxval=a)
    return {"X": X, "hyperedge_index": hyperedge_index, "theta_v": theta_v,
            "reference_pts": reference_pts, "weight": weight}


def reference(X, hyperedge_index, theta_v, reference_pts, weight):
    eps = 1e-05
    P = weight.shape[0]
    M = reference_pts.shape[0]
    # weight-norm linear (g=1): rows of v normalized
    W = theta_v / jnp.linalg.norm(theta_v, axis=1, keepdims=True)
    Xs = X @ W.T  # [N, P] sliced features
    # double self loops: duplicate members of singleton segments
    nseg = 16
    counts = jnp.bincount(hyperedge_index, length=nseg)
    unique_mask = counts[hyperedge_index] == 1
    dup_idx = jnp.nonzero(unique_mask, size=nseg, fill_value=0)[0]
    ndup = unique_mask.sum()
    dup_valid = jnp.arange(nseg) < ndup
    dup_seg = jnp.where(dup_valid, hyperedge_index[dup_idx], nseg)
    Xs_aug = jnp.concatenate([Xs, Xs[dup_idx]], axis=0)
    idx_aug = jnp.concatenate([hyperedge_index, dup_seg], axis=0)
    # sparse_sort: per-column sort within segments via (normalized value + segment id) key
    f_min = Xs_aug.min(axis=0)
    f_max = Xs_aug.max(axis=0)
    keynorm = (Xs_aug - f_min) / (f_max - f_min + 1e-12) + idx_aug[:, None].astype(Xs_aug.dtype)
    perm = jnp.argsort(keynorm, axis=0)  # [Ntot, P]
    Xs_sorted = jnp.take_along_axis(Xs_aug, perm, axis=0)
    seg_sorted = idx_aug[perm[:, 0]]
    Ntot = Xs_aug.shape[0]
    R = jnp.arange(Ntot, dtype=Xs_aug.dtype) + 1.0
    edges = jnp.unique(seg_sorted, size=nseg, fill_value=0)
    E = int(edges.shape[0])
    anchors_idx = jnp.repeat(edges, M)
    xnew = jnp.tile(jnp.linspace(0.0, 1.0, M, dtype=Xs_aug.dtype), E) * 0.99998 + eps
    xnew = xnew + anchors_idx.astype(Xs_aug.dtype)
    D1 = jax.ops.segment_sum(jnp.ones_like(seg_sorted), seg_sorted, num_segments=nseg + 1)
    D = D1[seg_sorted].astype(Xs_aug.dtype)
    ptr = jnp.concatenate([jnp.zeros((1,), D1.dtype), jnp.cumsum(D1)])
    Pp = ptr[seg_sorted].astype(Xs_aug.dtype)
    x = (R - Pp - 1.0) / (D - 1.0) * 0.99999 + eps + seg_sorted.astype(Xs_aug.dtype)
    x = jnp.where(seg_sorted == nseg, R + jnp.asarray(nseg, Xs_aug.dtype), x)
    y = Xs_sorted.T  # [P, Ntot]
    yq = jax.vmap(lambda yr: jnp.interp(xnew, x, yr))(y)  # [P, M*E]
    Xinterp = yq.T  # [M*E, P]
    # reference slices, sparse-sorted per edge (already ascending -> identity perm, done faithfully)
    Rslices = jnp.tile(reference_pts, (E, 1))  # [E*M, P]
    r_min = Rslices.min(axis=0)
    r_max = Rslices.max(axis=0)
    rkey = (Rslices - r_min) / (r_max - r_min + 1e-12) + anchors_idx[:, None].astype(Rslices.dtype)
    Rperm = jnp.argsort(rkey, axis=0)
    embeddings = Rslices - jnp.take_along_axis(Xinterp, Rperm, axis=0)
    emb = embeddings.T.reshape(P, E, M)
    weighted = (weight[:, None, :] * emb).mean(axis=-1)  # [P, E]
    out = weighted.T  # [E, P]
    return (out, edges)

if __name__ == "__main__":
    import jax
    _d = setup_inputs()
    print(jax.jit(kernel)(*tuple(_d.values())))

</pallas_src>

<mosaic_0001>
#map = affine_map<(d0, d1) -> (0)>
#map1 = affine_map<(d0, d1) -> (0, 0)>
module attributes {stable_mosaic.version = 14 : i64} {
  func.func @sc_gather(%arg0: i32, %arg1: i32, %arg2: memref<4096xi32, #tpu.memory_space<hbm>>, %arg3: memref<8192x128xf32, #tpu.memory_space<hbm>>, %arg4: memref<4096x128xf32, #tpu.memory_space<hbm>>, %arg5: memref<128xi32, #tpu.memory_space<vmem>>, %arg6: memref<128x128xf32, #tpu.memory_space<vmem>>, %arg7: memref<!tpu.dma_semaphore, #tpu.memory_space<semaphore_mem>>) attributes {dimension_semantics = [#tpu.dimension_semantics<core_parallel>, #tpu.dimension_semantics<subcore_parallel>], iteration_bounds = array<i64: 2, 16>, scalar_prefetch = 0 : i64, scratch_operands = 3 : i64, tpu.core_type = #tpu.core_type<sc_vector_subcore>, window_params = [{transform_indices = #map}, {transform_indices = #map1}, {transform_indices = #map1}]} {
    %mul3A = arith.constant 2 : i32
    %mul3A_0 = arith.muli %arg1, %mul3A : i32
    %add3A = arith.addi %mul3A_0, %arg0 : i32
    %mul3A_1 = arith.constant 128 : i32
    %mul3A_2 = arith.muli %add3A, %mul3A_1 : i32
    "tpu.region"() ({
      %run_scoped3A = tpu.sem_alloc : memref<!tpu.dma_semaphore, #tpu.memory_space<semaphore_mem>>
      %dma_start3A_7 = tpu.memref_slice %arg2[%mul3A_2] : memref<4096xi32, #tpu.memory_space<hbm>> -> memref<128xi32, #tpu.memory_space<hbm>>
      %dma_start3A_8 = tpu.memref_slice %arg2[%mul3A_2] : memref<4096xi32, #tpu.memory_space<hbm>> -> memref<128xi32, #tpu.memory_space<hbm>>
      tpu.enqueue_dma source(%dma_start3A_8 : memref<128xi32, #tpu.memory_space<hbm>>) target(%arg5 : memref<128xi32, #tpu.memory_space<vmem>>) target_semaphore(%run_scoped3A : memref<!tpu.dma_semaphore, #tpu.memory_space<semaphore_mem>>)
      %dma_wait3A_9 = tpu.memref_slice %arg2[%mul3A_2] : memref<4096xi32, #tpu.memory_space<hbm>> -> memref<128xi32, #tpu.memory_space<hbm>>
      %dma_wait3A_10 = tpu.memref_slice %arg2[%mul3A_2] : memref<4096xi32, #tpu.memory_space<hbm>> -> memref<128xi32, #tpu.memory_space<hbm>>
      tpu.wait_dma2 semaphore(%run_scoped3A : memref<!tpu.dma_semaphore, #tpu.memory_space<semaphore_mem>>) src(%dma_wait3A_10 : memref<128xi32, #tpu.memory_space<hbm>>) dst(%arg5 : memref<128xi32, #tpu.memory_space<vmem>>)
      tpu.yield
    }) : () -> ()
    %dma_start3A = arith.constant 0 : i32
    %dma_start3A_3 = arith.constant 0 : i32
    %dma_start3A_4 = tpu.memref_slice %arg3[%dma_start3A, %dma_start3A_3] : memref<8192x128xf32, #tpu.memory_space<hbm>> -> memref<8192x128xf32, #tpu.memory_space<hbm>>
    tpu.enqueue_indirect_dma source(%dma_start3A_4 : memref<8192x128xf32, #tpu.memory_space<hbm>>) target(%arg6 : memref<128x128xf32, #tpu.memory_space<vmem>>) offsets(%arg5 : memref<128xi32, #tpu.memory_space<vmem>>) semaphore(%arg7 : memref<!tpu.dma_semaphore, #tpu.memory_space<semaphore_mem>>)
    %dma_wait3A = arith.constant 0 : i32
    %dma_wait3A_5 = arith.constant 0 : i32
    %dma_wait3A_6 = tpu.memref_slice %arg3[%dma_wait3A, %dma_wait3A_5] : memref<8192x128xf32, #tpu.memory_space<hbm>> -> memref<8192x128xf32, #tpu.memory_space<hbm>>
    tpu.wait_indirect_dma semaphore(%arg7 : memref<!tpu.dma_semaphore, #tpu.memory_space<semaphore_mem>>) src(%dma_wait3A_6 : memref<8192x128xf32, #tpu.memory_space<hbm>>) dst(%arg6 : memref<128x128xf32, #tpu.memory_space<vmem>>)
    "tpu.region"() ({
      %run_scoped3A = tpu.sem_alloc : memref<!tpu.dma_semaphore, #tpu.memory_space<semaphore_mem>>
      %dma_start3A_7 = arith.constant 0 : i32
      %dma_start3A_8 = tpu.memref_slice %arg4[%mul3A_2, %dma_start3A_7] : memref<4096x128xf32, #tpu.memory_space<hbm>> -> memref<128x128xf32, #tpu.memory_space<hbm>>
      %dma_start3A_9 = arith.constant 0 : i32
      %dma_start3A_10 = tpu.memref_slice %arg4[%mul3A_2, %dma_start3A_9] : memref<4096x128xf32, #tpu.memory_space<hbm>> -> memref<128x128xf32, #tpu.memory_space<hbm>>
      tpu.enqueue_dma source(%arg6 : memref<128x128xf32, #tpu.memory_space<vmem>>) target(%dma_start3A_10 : memref<128x128xf32, #tpu.memory_space<hbm>>) target_semaphore(%run_scoped3A : memref<!tpu.dma_semaphore, #tpu.memory_space<semaphore_mem>>)
      %dma_wait3A_11 = arith.constant 0 : i32
      %dma_wait3A_12 = tpu.memref_slice %arg4[%mul3A_2, %dma_wait3A_11] : memref<4096x128xf32, #tpu.memory_space<hbm>> -> memref<128x128xf32, #tpu.memory_space<hbm>>
      %dma_wait3A_13 = arith.constant 0 : i32
      %dma_wait3A_14 = tpu.memref_slice %arg4[%mul3A_2, %dma_wait3A_13] : memref<4096x128xf32, #tpu.memory_space<hbm>> -> memref<128x128xf32, #tpu.memory_space<hbm>>
      tpu.wait_dma2 semaphore(%run_scoped3A : memref<!tpu.dma_semaphore, #tpu.memory_space<semaphore_mem>>) src(%arg6 : memref<128x128xf32, #tpu.memory_space<vmem>>) dst(%dma_wait3A_14 : memref<128x128xf32, #tpu.memory_space<hbm>>)
      tpu.yield
    }) : () -> ()
    return
  }
}

module attributes {stable_mosaic.version = 14 : i64} {
  func.func @_prep_body(%arg0: memref<64x32768xf32, #tpu.memory_space<vmem>>, %arg1: memref<32x64xf32, #tpu.memory_space<vmem>>, %arg2: memref<256x128xi32, #tpu.memory_space<vmem>>, %arg3: memref<32x32768xf32, #tpu.memory_space<vmem>>, %arg4: memref<32x1xf32, #tpu.memory_space<vmem>>, %arg5: memref<32x1xf32, #tpu.memory_space<vmem>>, %arg6: memref<32x128xi32, #tpu.memory_space<vmem>>, %arg7: memref<32x128xi32, #tpu.memory_space<vmem>>, %arg8: memref<16x128xf32, #tpu.memory_space<vmem>>) attributes {dimension_semantics = [], scalar_prefetch = 0 : i64, scratch_operands = 0 : i64, tpu.core_type = #tpu.core_type<tc>} {
    %get3A = arith.constant 0 : index
    %get3A_0 = arith.constant 0 : index
    %get3A_1 = vector.load %arg1[%get3A, %get3A_0] : memref<32x64xf32, #tpu.memory_space<vmem>>, vector<32x64xf32>
    %mul3A = arith.mulf %get3A_1, %get3A_1 : vector<32x64xf32>
    %reduce_sum3A = arith.constant dense<0.000000e+00> : vector<32xf32>
    %reduce_sum3A_2 = vector.multi_reduction <add>, %mul3A, %reduce_sum3A [1] : vector<32x64xf32> to vector<32xf32>
    %broadcast_in_dim3A = vector.shape_cast %reduce_sum3A_2 : vector<32xf32> to vector<32x1xf32>
    %sqrt3A = math.sqrt %broadcast_in_dim3A : vector<32x1xf32>
    %div3A = vector.broadcast %sqrt3A : vector<32x1xf32> to vector<32x64xf32>
    %div3A_3 = arith.divf %get3A_1, %div3A : vector<32x64xf32>
    %get3A_4 = arith.constant 0 : index
    %get3A_5 = arith.constant 0 : index
    %get3A_6 = vector.load %arg0[%get3A_4, %get3A_5] : memref<64x32768xf32, #tpu.memory_space<vmem>>, vector<64x32768xf32>
    %dot_general3A = arith.constant dense<0.000000e+00> : vector<32x32768xf32>
    %dot_general3A_7 = tpu.matmul %div3A_3, %get3A_6, %dot_general3A {dimension_numbers = #tpu.dot_dimension_numbers<[1], [0], [0], [1], [0, 0, 1, 1], [], []>, transpose_lhs_hint = false} : vector<32x64xf32>, vector<64x32768xf32>, vector<32x32768xf32> -> vector<32x32768xf32>
    %reduce_min3A = arith.constant dense<0x7F800000> : vector<32xf32>
    %reduce_min3A_8 = vector.multi_reduction <minimumf>, %dot_general3A_7, %reduce_min3A [1] : vector<32x32768xf32> to vector<32xf32>
    %broadcast_in_dim3A_9 = vector.shape_cast %reduce_min3A_8 : vector<32xf32> to vector<32x1xf32>
    %reduce_max3A = arith.constant dense<0xFF800000> : vector<32xf32>
    %reduce_max3A_10 = vector.multi_reduction <maximumf>, %dot_general3A_7, %reduce_max3A [1] : vector<32x32768xf32> to vector<32xf32>
    %broadcast_in_dim3A_11 = vector.shape_cast %reduce_max3A_10 : vector<32xf32> to vector<32x1xf32>
    %sub3A = arith.subf %broadcast_in_dim3A_11, %broadcast_in_dim3A_9 : vector<32x1xf32>
    %add3A = arith.constant 9.99999996E-13 : f32
    %add3A_12 = vector.broadcast %add3A : f32 to vector<32x1xf32>
    %add3A_13 = arith.addf %sub3A, %add3A_12 : vector<32x1xf32>
    %swap3A = arith.constant 0 : index
    %swap3A_14 = arith.constant 0 : index
    %swap3A_15 = vector.load %arg4[%swap3A, %swap3A_14] : memref<32x1xf32, #tpu.memory_space<vmem>>, vector<32x1xf32>
    tpu.vector_store %arg4[%swap3A, %swap3A_14], %broadcast_in_dim3A_9 {strides = array<i32>} : memref<32x1xf32, #tpu.memory_space<vmem>>, vector<32x1xf32>,
    %swap3A_16 = arith.constant 0 : index
    %swap3A_17 = arith.constant 0 : index
    %swap3A_18 = vector.load %arg5[%swap3A_16, %swap3A_17] : memref<32x1xf32, #tpu.memory_space<vmem>>, vector<32x1xf32>
    tpu.vector_store %arg5[%swap3A_16, %swap3A_17], %add3A_13 {strides = array<i32>} : memref<32x1xf32, #tpu.memory_space<vmem>>, vector<32x1xf32>,
    %get3A_19 = arith.constant 0 : index
    %get3A_20 = arith.constant 0 : index
    %get3A_21 = vector.load %arg2[%get3A_19, %get3A_20] : memref<256x128xi32, #tpu.memory_space<vmem>>, vector<256x128xi32>
    %eq3A = arith.constant 0 : i32
    %eq3A_22 = vector.broadcast %eq3A : i32 to vector<256x128xi32>
    %eq3A_23 = arith.cmpi eq, %get3A_21, %eq3A_22 : vector<256x128xi32>
    %convert_element_type3A = arith.extui %eq3A_23 : vector<256x128xi1> to vector<256x128xi32>
    %reduce_sum3A_24 = vector.shape_cast %convert_element_type3A : vector<256x128xi32> to vector<1x256x128xi32>
    %reduce_sum3A_25 = arith.constant dense<0> : vector<1xi32>
    %reduce_sum3A_26 = vector.multi_reduction <add>, %reduce_sum3A_24, %reduce_sum3A_25 [1, 2] : vector<1x256x128xi32> to vector<1xi32>
    %reduce_sum3A_27 = vector.shape_cast %reduce_sum3A_26 : vector<1xi32> to vector<1x1x1xi32>
    %reduce_sum3A_28 = vector.extract %reduce_sum3A_27[0, 0, 0] : i32 from vector<1x1x1xi32>
    %eq3A_29 = arith.constant 1 : i32
    %eq3A_30 = vector.broadcast %eq3A_29 : i32 to vector<256x128xi32>
    %eq3A_31 = arith.cmpi eq, %get3A_21, %eq3A_30 : vector<256x128xi32>
    %convert_element_type3A_32 = arith.extui %eq3A_31 : vector<256x128xi1> to vector<256x128xi32>
    %reduce_sum3A_33 = vector.shape_cast %convert_element_type3A_32 : vector<256x128xi32> to vector<1x256x128xi32>
    %reduce_sum3A_34 = arith.constant dense<0> : vector<1xi32>
    %reduce_sum3A_35 = vector.multi_reduction <add>, %reduce_sum3A_33, %reduce_sum3A_34 [1, 2] : vector<1x256x128xi32> to vector<1xi32>
    %reduce_sum3A_36 = vector.shape_cast %reduce_sum3A_35 : vector<1xi32> to vector<1x1x1xi32>
    %reduce_sum3A_37 = vector.extract %reduce_sum3A_36[0, 0, 0] : i32 from vector<1x1x1xi32>
    %eq3A_38 = arith.constant 2 : i32
    %eq3A_39 = vector.broadcast %eq3A_38 : i32 to vector<256x128xi32>
    %eq3A_40 = arith.cmpi eq, %get3A_21, %eq3A_39 : vector<256x128xi32>
    %convert_element_type3A_41 = arith.extui %eq3A_40 : vector<256x128xi1> to vector<256x128xi32>
    %reduce_sum3A_42 = vector.shape_cast %convert_element_type3A_41 : vector<256x128xi32> to vector<1x256x128xi32>
    %reduce_sum3A_43 = arith.constant dense<0> : vector<1xi32>
    %reduce_sum3A_44 = vector.multi_reduction <add>, %reduce_sum3A_42, %reduce_sum3A_43 [1, 2] : vector<1x256x128xi32> to vector<1xi32>
    %reduce_sum3A_45 = vector.shape_cast %reduce_sum3A_44 : vector<1xi32> to vector<1x1x1xi32>
    %reduce_sum3A_46 = vector.extract %reduce_sum3A_45[0, 0, 0] : i32 from vector<1x1x1xi32>
    %eq3A_47 = arith.constant 3 : i32
    %eq3A_48 = vector.broadcast %eq3A_47 : i32 to vector<256x128xi32>
    %eq3A_49 = arith.cmpi eq, %get3A_21, %eq3A_48 : vector<256x128xi32>
    %convert_element_type3A_50 = arith.extui %eq3A_49 : vector<256x128xi1> to vector<256x128xi32>
    %reduce_sum3A_51 = vector.shape_cast %convert_element_type3A_50 : vector<256x128xi32> to vector<1x256x128xi32>
    %reduce_sum3A_52 = arith.constant dense<0> : vector<1xi32>
    %reduce_sum3A_53 = vector.multi_reduction <add>, %reduce_sum3A_51, %reduce_sum3A_52 [1, 2] : vector<1x256x128xi32> to vector<1xi32>
    %reduce_sum3A_54 = vector.shape_cast %reduce_sum3A_53 : vector<1xi32> to vector<1x1x1xi32>
    %reduce_sum3A_55 = vector.extract %reduce_sum3A_54[0, 0, 0] : i32 from vector<1x1x1xi32>
    %eq3A_56 = arith.constant 4 : i32
    %eq3A_57 = vector.broadcast %eq3A_56 : i32 to vector<256x128xi32>
    %eq3A_58 = arith.cmpi eq, %get3A_21, %eq3A_57 : vector<256x128xi32>
    %convert_element_type3A_59 = arith.extui %eq3A_58 : vector<256x128xi1> to vector<256x128xi32>
    %reduce_sum3A_60 = vector.shape_cast %convert_element_type3A_59 : vector<256x128xi32> to vector<1x256x128xi32>
    %reduce_sum3A_61 = arith.constant dense<0> : vector<1xi32>
    %reduce_sum3A_62 = vector.multi_reduction <add>, %reduce_sum3A_60, %reduce_sum3A_61 [1, 2] : vector<1x256x128xi32> to vector<1xi32>
    %reduce_sum3A_63 = vector.shape_cast %reduce_sum3A_62 : vector<1xi32> to vector<1x1x1xi32>
    %reduce_sum3A_64 = vector.extract %reduce_sum3A_63[0, 0, 0] : i32 from vector<1x1x1xi32>
    %eq3A_65 = arith.constant 5 : i32
    %eq3A_66 = vector.broadcast %eq3A_65 : i32 to vector<256x128xi32>
    %eq3A_67 = arith.cmpi eq, %get3A_21, %eq3A_66 : vector<256x128xi32>
    %convert_element_type3A_68 = arith.extui %eq3A_67 : vector<256x128xi1> to vector<256x128xi32>
    %reduce_sum3A_69 = vector.shape_cast %convert_element_type3A_68 : vector<256x128xi32> to vector<1x256x128xi32>
    %reduce_sum3A_70 = arith.constant dense<0> : vector<1xi32>
    %reduce_sum3A_71 = vector.multi_reduction <add>, %reduce_sum3A_69, %reduce_sum3A_70 [1, 2] : vector<1x256x128xi32> to vector<1xi32>
    %reduce_sum3A_72 = vector.shape_cast %reduce_sum3A_71 : vector<1xi32> to vector<1x1x1xi32>
    %reduce_sum3A_73 = vector.extract %reduce_sum3A_72[0, 0, 0] : i32 from vector<1x1x1xi32>
    %eq3A_74 = arith.constant 6 : i32
    %eq3A_75 = vector.broadcast %eq3A_74 : i32 to vector<256x128xi32>
    %eq3A_76 = arith.cmpi eq, %get3A_21, %eq3A_75 : vector<256x128xi32>
    %convert_element_type3A_77 = arith.extui %eq3A_76 : vector<256x128xi1> to vector<256x128xi32>
    %reduce_sum3A_78 = vector.shape_cast %convert_element_type3A_77 : vector<256x128xi32> to vector<1x256x128xi32>
    %reduce_sum3A_79 = arith.constant dense<0> : vector<1xi32>
    %reduce_sum3A_80 = vector.multi_reduction <add>, %reduce_sum3A_78, %reduce_sum3A_79 [1, 2] : vector<1x256x128xi32> to vector<1xi32>
    %reduce_sum3A_81 = vector.shape_cast %reduce_sum3A_80 : vector<1xi32> to vector<1x1x1xi32>
    %reduce_sum3A_82 = vector.extract %reduce_sum3A_81[0, 0, 0] : i32 from vector<1x1x1xi32>
    %eq3A_83 = arith.constant 7 : i32
    %eq3A_84 = vector.broadcast %eq3A_83 : i32 to vector<256x128xi32>
    %eq3A_85 = arith.cmpi eq, %get3A_21, %eq3A_84 : vector<256x128xi32>
    %convert_element_type3A_86 = arith.extui %eq3A_85 : vector<256x128xi1> to vector<256x128xi32>
    %reduce_sum3A_87 = vector.shape_cast %convert_element_type3A_86 : vector<256x128xi32> to vector<1x256x128xi32>
    %reduce_sum3A_88 = arith.constant dense<0> : vector<1xi32>
    %reduce_sum3A_89 = vector.multi_reduction <add>, %reduce_sum3A_87, %reduce_sum3A_88 [1, 2] : vector<1x256x128xi32> to vector<1xi32>
    %reduce_sum3A_90 = vector.shape_cast %reduce_sum3A_89 : vector<1xi32> to vector<1x1x1xi32>
    %reduce_sum3A_91 = vector.extract %reduce_sum3A_90[0, 0, 0] : i32 from vector<1x1x1xi32>
    %eq3A_92 = arith.constant 8 : i32
    %eq3A_93 = vector.broadcast %eq3A_92 : i32 to vector<256x128xi32>
    %eq3A_94 = arith.cmpi eq, %get3A_21, %eq3A_93 : vector<256x128xi32>
    %convert_element_type3A_95 = arith.extui %eq3A_94 : vector<256x128xi1> to vector<256x128xi32>
    %reduce_sum3A_96 = vector.shape_cast %convert_element_type3A_95 : vector<256x128xi32> to vector<1x256x128xi32>
    %reduce_sum3A_97 = arith.constant dense<0> : vector<1xi32>
    %reduce_sum3A_98 = vector.multi_reduction <add>, %reduce_sum3A_96, %reduce_sum3A_97 [1, 2] : vector<1x256x128xi32> to vector<1xi32>
    %reduce_sum3A_99 = vector.shape_cast %reduce_sum3A_98 : vector<1xi32> to vector<1x1x1xi32>
    %reduce_sum3A_100 = vector.extract %reduce_sum3A_99[0, 0, 0] : i32 from vector<1x1x1xi32>
    %eq3A_101 = arith.constant 9 : i32
    %eq3A_102 = vector.broadcast %eq3A_101 : i32 to vector<256x128xi32>
    %eq3A_103 = arith.cmpi eq, %get3A_21, %eq3A_102 : vector<256x128xi32>
    %convert_element_type3A_104 = arith.extui %eq3A_103 : vector<256x128xi1> to vector<256x128xi32>
    %reduce_sum3A_105 = vector.shape_cast %convert_element_type3A_104 : vector<256x128xi32> to vector<1x256x128xi32>
    %reduce_sum3A_106 = arith.constant dense<0> : vector<1xi32>
    %reduce_sum3A_107 = vector.multi_reduction <add>, %reduce_sum3A_105, %reduce_sum3A_106 [1, 2] : vector<1x256x128xi32> to vector<1xi32>
    %reduce_sum3A_108 = vector.shape_cast %reduce_sum3A_107 : vector<1xi32> to vector<1x1x1xi32>
    %reduce_sum3A_109 = vector.extract %reduce_sum3A_108[0, 0, 0] : i32 from vector<1x1x1xi32>
    %eq3A_110 = arith.constant 10 : i32
    %eq3A_111 = vector.broadcast %eq3A_110 : i32 to vector<256x128xi32>
    %eq3A_112 = arith.cmpi eq, %get3A_21, %eq3A_111 : vector<256x128xi32>
    %convert_element_type3A_113 = arith.extui %eq3A_112 : vector<256x128xi1> to vector<256x128xi32>
    %reduce_sum3A_114 = vector.shape_cast %convert_element_type3A_113 : vector<256x128xi32> to vector<1x256x128xi32>
    %reduce_sum3A_115 = arith.constant dense<0> : vector<1xi32>
    %reduce_sum3A_116 = vector.multi_reduction <add>, %reduce_sum3A_114, %reduce_sum3A_115 [1, 2] : vector<1x256x128xi32> to vector<1xi32>
    %reduce_sum3A_117 = vector.shape_cast %reduce_sum3A_116 : vector<1xi32> to vector<1x1x1xi32>
    %reduce_sum3A_118 = vector.extract %reduce_sum3A_117[0, 0, 0] : i32 from vector<1x1x1xi32>
    %eq3A_119 = arith.constant 11 : i32
    %eq3A_120 = vector.broadcast %eq3A_119 : i32 to vector<256x128xi32>
    %eq3A_121 = arith.cmpi eq, %get3A_21, %eq3A_120 : vector<256x128xi32>
    %convert_element_type3A_122 = arith.extui %eq3A_121 : vector<256x128xi1> to vector<256x128xi32>
    %reduce_sum3A_123 = vector.shape_cast %convert_element_type3A_122 : vector<256x128xi32> to vector<1x256x128xi32>
    %reduce_sum3A_124 = arith.constant dense<0> : vector<1xi32>
    %reduce_sum3A_125 = vector.multi_reduction <add>, %reduce_sum3A_123, %reduce_sum3A_124 [1, 2] : vector<1x256x128xi32> to vector<1xi32>
    %reduce_sum3A_126 = vector.shape_cast %reduce_sum3A_125 : vector<1xi32> to vector<1x1x1xi32>
    %reduce_sum3A_127 = vector.extract %reduce_sum3A_126[0, 0, 0] : i32 from vector<1x1x1xi32>
    %eq3A_128 = arith.constant 12 : i32
    %eq3A_129 = vector.broadcast %eq3A_128 : i32 to vector<256x128xi32>
    %eq3A_130 = arith.cmpi eq, %get3A_21, %eq3A_129 : vector<256x128xi32>
    %convert_element_type3A_131 = arith.extui %eq3A_130 : vector<256x128xi1> to vector<256x128xi32>
    %reduce_sum3A_132 = vector.shape_cast %convert_element_type3A_131 : vector<256x128xi32> to vector<1x256x128xi32>
    %reduce_sum3A_133 = arith.constant dense<0> : vector<1xi32>
    %reduce_sum3A_134 = vector.multi_reduction <add>, %reduce_sum3A_132, %reduce_sum3A_133 [1, 2] : vector<1x256x128xi32> to vector<1xi32>
    %reduce_sum3A_135 = vector.shape_cast %reduce_sum3A_134 : vector<1xi32> to vector<1x1x1xi32>
    %reduce_sum3A_136 = vector.extract %reduce_sum3A_135[0, 0, 0] : i32 from vector<1x1x1xi32>
    %eq3A_137 = arith.constant 13 : i32
    %eq3A_138 = vector.broadcast %eq3A_137 : i32 to vector<256x128xi32>
    %eq3A_139 = arith.cmpi eq, %get3A_21, %eq3A_138 : vector<256x128xi32>
    %convert_element_type3A_140 = arith.extui %eq3A_139 : vector<256x128xi1> to vector<256x128xi32>
    %reduce_sum3A_141 = vector.shape_cast %convert_element_type3A_140 : vector<256x128xi32> to vector<1x256x128xi32>
    %reduce_sum3A_142 = arith.constant dense<0> : vector<1xi32>
    %reduce_sum3A_143 = vector.multi_reduction <add>, %reduce_sum3A_141, %reduce_sum3A_142 [1, 2] : vector<1x256x128xi32> to vector<1xi32>
    %reduce_sum3A_144 = vector.shape_cast %reduce_sum3A_143 : vector<1xi32> to vector<1x1x1xi32>
    %reduce_sum3A_145 = vector.extract %reduce_sum3A_144[0, 0, 0] : i32 from vector<1x1x1xi32>
    %eq3A_146 = arith.constant 14 : i32
    %eq3A_147 = vector.broadcast %eq3A_146 : i32 to vector<256x128xi32>
    %eq3A_148 = arith.cmpi eq, %get3A_21, %eq3A_147 : vector<256x128xi32>
    %convert_element_type3A_149 = arith.extui %eq3A_148 : vector<256x128xi1> to vector<256x128xi32>
    %reduce_sum3A_150 = vector.shape_cast %convert_element_type3A_149 : vector<256x128xi32> to vector<1x256x128xi32>
    %reduce_sum3A_151 = arith.constant dense<0> : vector<1xi32>
    %reduce_sum3A_152 = vector.multi_reduction <add>, %reduce_sum3A_150, %reduce_sum3A_151 [1, 2] : vector<1x256x128xi32> to vector<1xi32>
    %reduce_sum3A_153 = vector.shape_cast %reduce_sum3A_152 : vector<1xi32> to vector<1x1x1xi32>
    %reduce_sum3A_154 = vector.extract %reduce_sum3A_153[0, 0, 0] : i32 from vector<1x1x1xi32>
    %eq3A_155 = arith.constant 15 : i32
    %eq3A_156 = vector.broadcast %eq3A_155 : i32 to vector<256x128xi32>
    %eq3A_157 = arith.cmpi eq, %get3A_21, %eq3A_156 : vector<256x128xi32>
    %convert_element_type3A_158 = arith.extui %eq3A_157 : vector<256x128xi1> to vector<256x128xi32>
    %reduce_sum3A_159 = vector.shape_cast %convert_element_type3A_158 : vector<256x128xi32> to vector<1x256x128xi32>
    %reduce_sum3A_160 = arith.constant dense<0> : vector<1xi32>
    %reduce_sum3A_161 = vector.multi_reduction <add>, %reduce_sum3A_159, %reduce_sum3A_160 [1, 2] : vector<1x256x128xi32> to vector<1xi32>
    %reduce_sum3A_162 = vector.shape_cast %reduce_sum3A_161 : vector<1xi32> to vector<1x1x1xi32>
    %reduce_sum3A_163 = vector.extract %reduce_sum3A_162[0, 0, 0] : i32 from vector<1x1x1xi32>
    %add3A_164 = arith.constant 0 : i32
    %add3A_165 = arith.addi %add3A_164, %reduce_sum3A_28 : i32
    %add3A_166 = arith.addi %add3A_165, %reduce_sum3A_37 : i32
    %add3A_167 = arith.addi %add3A_166, %reduce_sum3A_46 : i32
    %add3A_168 = arith.addi %add3A_167, %reduce_sum3A_55 : i32
    %add3A_169 = arith.addi %add3A_168, %reduce_sum3A_64 : i32
    %add3A_170 = arith.addi %add3A_169, %reduce_sum3A_73 : i32
    %add3A_171 = arith.addi %add3A_170, %reduce_sum3A_82 : i32
    %add3A_172 = arith.addi %add3A_171, %reduce_sum3A_91 : i32
    %add3A_173 = arith.addi %add3A_172, %reduce_sum3A_100 : i32
    %add3A_174 = arith.addi %add3A_173, %reduce_sum3A_109 : i32
    %add3A_175 = arith.addi %add3A_174, %reduce_sum3A_118 : i32
    %add3A_176 = arith.addi %add3A_175, %reduce_sum3A_127 : i32
    %add3A_177 = arith.addi %add3A_176, %reduce_sum3A_136 : i32
    %add3A_178 = arith.addi %add3A_177, %reduce_sum3A_145 : i32
    %add3A_179 = arith.addi %add3A_178, %reduce_sum3A_154 : i32
    %iota3A = tpu.iota {dimensions = array<i32: 1>} : vector<1x32768xi32>
    %broadcast_in_dim3A_180 = arith.constant 0 : i32
    %broadcast_in_dim3A_181 = vector.broadcast %broadcast_in_dim3A_180 : i32 to vector<1x32768xi32>
    %ge3A = vector.broadcast %add3A_165 : i32 to vector<1x32768xi32>
    %ge3A_182 = arith.cmpi sge, %iota3A, %ge3A : vector<1x32768xi32>
    %convert_element_type3A_183 = arith.extui %ge3A_182 : vector<1x32768xi1> to vector<1x32768xi32>
    %add3A_184 = arith.addi %broadcast_in_dim3A_181, %convert_element_type3A_183 : vector<1x32768xi32>
    %ge3A_185 = vector.broadcast %add3A_166 : i32 to vector<1x32768xi32>
    %ge3A_186 = arith.cmpi sge, %iota3A, %ge3A_185 : vector<1x32768xi32>
    %convert_element_type3A_187 = arith.extui %ge3A_186 : vector<1x32768xi1> to vector<1x32768xi32>
    %add3A_188 = arith.addi %add3A_184, %convert_element_type3A_187 : vector<1x32768xi32>
    %ge3A_189 = vector.broadcast %add3A_167 : i32 to vector<1x32768xi32>
    %ge3A_190 = arith.cmpi sge, %iota3A, %ge3A_189 : vector<1x32768xi32>
    %convert_element_type3A_191 = arith.extui %ge3A_190 : vector<1x32768xi1> to vector<1x32768xi32>
    %add3A_192 = arith.addi %add3A_188, %convert_element_type3A_191 : vector<1x32768xi32>
    %ge3A_193 = vector.broadcast %add3A_168 : i32 to vector<1x32768xi32>
    %ge3A_194 = arith.cmpi sge, %iota3A, %ge3A_193 : vector<1x32768xi32>
    %convert_element_type3A_195 = arith.extui %ge3A_194 : vector<1x32768xi1> to vector<1x32768xi32>
    %add3A_196 = arith.addi %add3A_192, %convert_element_type3A_195 : vector<1x32768xi32>
    %ge3A_197 = vector.broadcast %add3A_169 : i32 to vector<1x32768xi32>
    %ge3A_198 = arith.cmpi sge, %iota3A, %ge3A_197 : vector<1x32768xi32>
    %convert_element_type3A_199 = arith.extui %ge3A_198 : vector<1x32768xi1> to vector<1x32768xi32>
    %add3A_200 = arith.addi %add3A_196, %convert_element_type3A_199 : vector<1x32768xi32>
    %ge3A_201 = vector.broadcast %add3A_170 : i32 to vector<1x32768xi32>
    %ge3A_202 = arith.cmpi sge, %iota3A, %ge3A_201 : vector<1x32768xi32>
    %convert_element_type3A_203 = arith.extui %ge3A_202 : vector<1x32768xi1> to vector<1x32768xi32>
    %add3A_204 = arith.addi %add3A_200, %convert_element_type3A_203 : vector<1x32768xi32>
    %ge3A_205 = vector.broadcast %add3A_171 : i32 to vector<1x32768xi32>
    %ge3A_206 = arith.cmpi sge, %iota3A, %ge3A_205 : vector<1x32768xi32>
    %convert_element_type3A_207 = arith.extui %ge3A_206 : vector<1x32768xi1> to vector<1x32768xi32>
    %add3A_208 = arith.addi %add3A_204, %convert_element_type3A_207 : vector<1x32768xi32>
    %ge3A_209 = vector.broadcast %add3A_172 : i32 to vector<1x32768xi32>
    %ge3A_210 = arith.cmpi sge, %iota3A, %ge3A_209 : vector<1x32768xi32>
    %convert_element_type3A_211 = arith.extui %ge3A_210 : vector<1x32768xi1> to vector<1x32768xi32>
    %add3A_212 = arith.addi %add3A_208, %convert_element_type3A_211 : vector<1x32768xi32>
    %ge3A_213 = vector.broadcast %add3A_173 : i32 to vector<1x32768xi32>
    %ge3A_214 = arith.cmpi sge, %iota3A, %ge3A_213 : vector<1x32768xi32>
    %convert_element_type3A_215 = arith.extui %ge3A_214 : vector<1x32768xi1> to vector<1x32768xi32>
    %add3A_216 = arith.addi %add3A_212, %convert_element_type3A_215 : vector<1x32768xi32>
    %ge3A_217 = vector.broadcast %add3A_174 : i32 to vector<1x32768xi32>
    %ge3A_218 = arith.cmpi sge, %iota3A, %ge3A_217 : vector<1x32768xi32>
    %convert_element_type3A_219 = arith.extui %ge3A_218 : vector<1x32768xi1> to vector<1x32768xi32>
    %add3A_220 = arith.addi %add3A_216, %convert_element_type3A_219 : vector<1x32768xi32>
    %ge3A_221 = vector.broadcast %add3A_175 : i32 to vector<1x32768xi32>
    %ge3A_222 = arith.cmpi sge, %iota3A, %ge3A_221 : vector<1x32768xi32>
    %convert_element_type3A_223 = arith.extui %ge3A_222 : vector<1x32768xi1> to vector<1x32768xi32>
    %add3A_224 = arith.addi %add3A_220, %convert_element_type3A_223 : vector<1x32768xi32>
    %ge3A_225 = vector.broadcast %add3A_176 : i32 to vector<1x32768xi32>
    %ge3A_226 = arith.cmpi sge, %iota3A, %ge3A_225 : vector<1x32768xi32>
    %convert_element_type3A_227 = arith.extui %ge3A_226 : vector<1x32768xi1> to vector<1x32768xi32>
    %add3A_228 = arith.addi %add3A_224, %convert_element_type3A_227 : vector<1x32768xi32>
    %ge3A_229 = vector.broadcast %add3A_177 : i32 to vector<1x32768xi32>
    %ge3A_230 = arith.cmpi sge, %iota3A, %ge3A_229 : vector<1x32768xi32>
    %convert_element_type3A_231 = arith.extui %ge3A_230 : vector<1x32768xi1> to vector<1x32768xi32>
    %add3A_232 = arith.addi %add3A_228, %convert_element_type3A_231 : vector<1x32768xi32>
    %ge3A_233 = vector.broadcast %add3A_178 : i32 to vector<1x32768xi32>
    %ge3A_234 = arith.cmpi sge, %iota3A, %ge3A_233 : vector<1x32768xi32>
    %convert_element_type3A_235 = arith.extui %ge3A_234 : vector<1x32768xi1> to vector<1x32768xi32>
    %add3A_236 = arith.addi %add3A_232, %convert_element_type3A_235 : vector<1x32768xi32>
    %ge3A_237 = vector.broadcast %add3A_179 : i32 to vector<1x32768xi32>
    %ge3A_238 = arith.cmpi sge, %iota3A, %ge3A_237 : vector<1x32768xi32>
    %convert_element_type3A_239 = arith.extui %ge3A_238 : vector<1x32768xi1> to vector<1x32768xi32>
    %add3A_240 = arith.addi %add3A_236, %convert_element_type3A_239 : vector<1x32768xi32>
    %sub3A_241 = vector.broadcast %broadcast_in_dim3A_9 : vector<32x1xf32> to vector<32x32768xf32>
    %sub3A_242 = arith.subf %dot_general3A_7, %sub3A_241 : vector<32x32768xf32>
    %div3A_243 = vector.broadcast %add3A_13 : vector<32x1xf32> to vector<32x32768xf32>
    %div3A_244 = arith.divf %sub3A_242, %div3A_243 : vector<32x32768xf32>
    %mul3A_245 = arith.constant 9.980000e-01 : f32
    %mul3A_246 = vector.broadcast %mul3A_245 : f32 to vector<32x32768xf32>
    %mul3A_247 = arith.mulf %div3A_244, %mul3A_246 : vector<32x32768xf32>
    %add3A_248 = arith.constant 1.000000e-03 : f32
    %add3A_249 = vector.broadcast %add3A_248 : f32 to vector<32x32768xf32>
    %add3A_250 = arith.addf %mul3A_247, %add3A_249 : vector<32x32768xf32>
    %convert_element_type3A_251 = arith.sitofp %add3A_240 : vector<1x32768xi32> to vector<1x32768xf32>
    %add3A_252 = vector.broadcast %convert_element_type3A_251 : vector<1x32768xf32> to vector<32x32768xf32>
    %add3A_253 = arith.addf %add3A_250, %add3A_252 : vector<32x32768xf32>
    %scan3A = arith.constant 0 : i32
    %scan3A_254 = arith.constant 15 : i32
    %scan3A_255 = arith.addi %scan3A, %scan3A_254 : i32
    %scan3A_256 = arith.constant 1 : i32
    %scan3A_257 = scf.for %scan3A_1190 = %scan3A to %scan3A_255 step %scan3A_256 iter_args(%scan3A_1191 = %add3A_253) -> (vector<32x32768xf32>)  : i32 {
      %shift_left3A = arith.constant 2 : i32
      %shift_left3A_1192 = arith.shli %shift_left3A, %scan3A_1190 : i32
      %jit3A_1193 = arith.constant 2 : i32
      %div3A_1194 = arith.divsi %shift_left3A_1192, %jit3A_1193 : i32
      %sign3A = arith.constant 0 : i32
      %sign3A_1195 = arith.cmpi sgt, %shift_left3A_1192, %sign3A : i32
      %sign3A_1196 = arith.extui %sign3A_1195 : i1 to i32
      %sign3A_1197 = arith.constant 0 : i32
      %sign3A_1198 = arith.cmpi slt, %shift_left3A_1192, %sign3A_1197 : i32
      %sign3A_1199 = arith.extui %sign3A_1198 : i1 to i32
      %sign3A_1200 = arith.subi %sign3A_1196, %sign3A_1199 : i32
      %sign3A_1201 = arith.constant 0 : i32
      %sign3A_1202 = arith.cmpi sgt, %jit3A_1193, %sign3A_1201 : i32
      %sign3A_1203 = arith.extui %sign3A_1202 : i1 to i32
      %sign3A_1204 = arith.constant 0 : i32
      %sign3A_1205 = arith.cmpi slt, %jit3A_1193, %sign3A_1204 : i32
      %sign3A_1206 = arith.extui %sign3A_1205 : i1 to i32
      %sign3A_1207 = arith.subi %sign3A_1203, %sign3A_1206 : i32
      %ne3A = arith.cmpi ne, %sign3A_1200, %sign3A_1207 : i32
      %rem3A = arith.remsi %shift_left3A_1192, %jit3A_1193 : i32
      %ne3A_1208 = arith.constant 0 : i32
      %ne3A_1209 = arith.cmpi ne, %rem3A, %ne3A_1208 : i32
      %and3A_1210 = arith.andi %ne3A, %ne3A_1209 : i1
      %sub3A_1211 = arith.constant 1 : i32
      %sub3A_1212 = arith.subi %div3A_1194, %sub3A_1211 : i32
      %select_n3A_1213 = arith.select %and3A_1210, %sub3A_1212, %div3A_1194 : i32
      %while3A:2 = scf.while (%while3A_1214 = %select_n3A_1213, %while3A_1215 = %scan3A_1191) : (i32, vector<32x32768xf32>) -> (i32, vector<32x32768xf32>) {
        %ge3A_1216 = arith.constant 1 : i32
        %ge3A_1217 = arith.cmpi sge, %while3A_1214, %ge3A_1216 : i32
        scf.condition(%ge3A_1217) %while3A_1214, %while3A_1215 : i32, vector<32x32768xf32>
      } do {
      ^bb0(%while3A_1214: i32, %while3A_1215: vector<32x32768xf32>):
        %jit3A_1216 = arith.constant 2 : i32
        %div3A_1217 = arith.divsi %while3A_1214, %jit3A_1216 : i32
        %sign3A_1218 = arith.constant 0 : i32
        %sign3A_1219 = arith.cmpi sgt, %while3A_1214, %sign3A_1218 : i32
        %sign3A_1220 = arith.extui %sign3A_1219 : i1 to i32
        %sign3A_1221 = arith.constant 0 : i32
        %sign3A_1222 = arith.cmpi slt, %while3A_1214, %sign3A_1221 : i32
        %sign3A_1223 = arith.extui %sign3A_1222 : i1 to i32
        %sign3A_1224 = arith.subi %sign3A_1220, %sign3A_1223 : i32
        %sign3A_1225 = arith.constant 0 : i32
        %sign3A_1226 = arith.cmpi sgt, %jit3A_1216, %sign3A_1225 : i32
        %sign3A_1227 = arith.extui %sign3A_1226 : i1 to i32
        %sign3A_1228 = arith.constant 0 : i32
        %sign3A_1229 = arith.cmpi slt, %jit3A_1216, %sign3A_1228 : i32
        %sign3A_1230 = arith.extui %sign3A_1229 : i1 to i32
        %sign3A_1231 = arith.subi %sign3A_1227, %sign3A_1230 : i32
        %ne3A_1232 = arith.cmpi ne, %sign3A_1224, %sign3A_1231 : i32
        %rem3A_1233 = arith.remsi %while3A_1214, %jit3A_1216 : i32
        %ne3A_1234 = arith.constant 0 : i32
        %ne3A_1235 = arith.cmpi ne, %rem3A_1233, %ne3A_1234 : i32
        %and3A_1236 = arith.andi %ne3A_1232, %ne3A_1235 : i1
        %sub3A_1237 = arith.constant 1 : i32
        %sub3A_1238 = arith.subi %div3A_1217, %sub3A_1237 : i32
        %select_n3A_1239 = arith.select %and3A_1236, %sub3A_1238, %div3A_1217 : i32
        %sub3A_1240 = arith.constant 32768 : i32
        %sub3A_1241 = arith.subi %sub3A_1240, %while3A_1214 : i32
        %roll3A = tpu.dynamic_rotate %while3A_1215 by %sub3A_1241 dim 1 : vector<32x32768xf32>, i32 -> vector<32x32768xf32>
        %roll3A_1242 = tpu.dynamic_rotate %while3A_1215 by %while3A_1214 dim 1 : vector<32x32768xf32>, i32 -> vector<32x32768xf32>
        %and3A_1243 = vector.broadcast %while3A_1214 : i32 to vector<1x32768xi32>
        %and3A_1244 = arith.andi %iota3A, %and3A_1243 : vector<1x32768xi32>
        %eq3A_1245 = arith.constant 0 : i32
        %eq3A_1246 = vector.broadcast %eq3A_1245 : i32 to vector<1x32768xi32>
        %eq3A_1247 = arith.cmpi eq, %and3A_1244, %eq3A_1246 : vector<1x32768xi32>
        %and3A_1248 = vector.broadcast %shift_left3A_1192 : i32 to vector<1x32768xi32>
        %and3A_1249 = arith.andi %iota3A, %and3A_1248 : vector<1x32768xi32>
        %eq3A_1250 = arith.constant 0 : i32
        %eq3A_1251 = vector.broadcast %eq3A_1250 : i32 to vector<1x32768xi32>
        %eq3A_1252 = arith.cmpi eq, %and3A_1249, %eq3A_1251 : vector<1x32768xi32>
        %broadcast_in_dim3A_1253 = vector.shape_cast %eq3A_1247 : vector<1x32768xi1> to vector<1x32768xi1>
        %broadcast_in_dim3A_1254 = vector.broadcast %broadcast_in_dim3A_1253 : vector<1x32768xi1> to vector<32x32768xi1>
        %select_n3A_1255 = arith.select %broadcast_in_dim3A_1254, %roll3A, %roll3A_1242 : vector<32x32768xi1>, vector<32x32768xf32>
        %eq3A_1256 = arith.xori %eq3A_1247, %eq3A_1252 : vector<1x32768xi1>
        %eq3A_1257 = arith.constant dense<true> : vector<1x32768xi1>
        %eq3A_1258 = arith.xori %eq3A_1256, %eq3A_1257 : vector<1x32768xi1>
        %min3A_1259 = arith.minimumf %while3A_1215, %select_n3A_1255 : vector<32x32768xf32>
        %max3A_1260 = arith.maximumf %while3A_1215, %select_n3A_1255 : vector<32x32768xf32>
        %broadcast_in_dim3A_1261 = vector.shape_cast %eq3A_1258 : vector<1x32768xi1> to vector<1x32768xi1>
        %broadcast_in_dim3A_1262 = vector.broadcast %broadcast_in_dim3A_1261 : vector<1x32768xi1> to vector<32x32768xi1>
        %select_n3A_1263 = arith.select %broadcast_in_dim3A_1262, %min3A_1259, %max3A_1260 : vector<32x32768xi1>, vector<32x32768xf32>
        scf.yield %select_n3A_1239, %select_n3A_1263 : i32, vector<32x32768xf32>
      }
      scf.yield %while3A#1 : vector<32x32768xf32>
    }
    %scan3A_258 = arith.constant 15 : i32
    %swap3A_259 = arith.constant 0 : index
    %swap3A_260 = arith.constant 0 : index
    %swap3A_261 = vector.load %arg3[%swap3A_259, %swap3A_260] : memref<32x32768xf32, #tpu.memory_space<vmem>>, vector<32x32768xf32>
    tpu.vector_store %arg3[%swap3A_259, %swap3A_260], %scan3A_257 {strides = array<i32>} : memref<32x32768xf32, #tpu.memory_space<vmem>>, vector<32x32768xf32>,
    %iota3A_262 = tpu.iota {dimensions = array<i32: 1>} : vector<1x128xi32>
    %convert_element_type3A_263 = arith.sitofp %iota3A_262 : vector<1x128xi32> to vector<1x128xf32>
    %mul3A_264 = arith.constant 0.00787393656 : f32
    %mul3A_265 = vector.broadcast %mul3A_264 : f32 to vector<1x128xf32>
    %mul3A_266 = arith.mulf %convert_element_type3A_263, %mul3A_265 : vector<1x128xf32>
    %eq3A_267 = arith.constant 1 : i32
    %eq3A_268 = arith.cmpi eq, %reduce_sum3A_28, %eq3A_267 : i32
    %jit3A = arith.constant 2 : i32
    %select_n3A = arith.select %eq3A_268, %jit3A, %reduce_sum3A_28 : i32
    %sub3A_269 = arith.constant 1 : i32
    %sub3A_270 = arith.subi %select_n3A, %sub3A_269 : i32
    %convert_element_type3A_271 = arith.sitofp %sub3A_270 : i32 to f32
    %mul3A_272 = vector.broadcast %convert_element_type3A_271 : f32 to vector<1x128xf32>
    %mul3A_273 = arith.mulf %mul3A_266, %mul3A_272 : vector<1x128xf32>
    %floor3A = math.floor %mul3A_273 : vector<1x128xf32>
    %sub3A_274 = arith.subf %mul3A_273, %floor3A : vector<1x128xf32>
    %convert_element_type3A_275 = arith.fptosi %floor3A : vector<1x128xf32> to vector<1x128xi32>
    %sub3A_276 = arith.constant 1 : i32
    %sub3A_277 = arith.subi %reduce_sum3A_28, %sub3A_276 : i32
    %min3A = vector.broadcast %sub3A_277 : i32 to vector<1x128xi32>
    %min3A_278 = arith.minsi %convert_element_type3A_275, %min3A : vector<1x128xi32>
    %add3A_279 = arith.constant 0 : i32
    %add3A_280 = vector.broadcast %add3A_279 : i32 to vector<1x128xi32>
    %add3A_281 = arith.addi %add3A_280, %min3A_278 : vector<1x128xi32>
    %max3A = arith.constant 0 : i32
    %max3A_282 = vector.broadcast %max3A : i32 to vector<1x128xi32>
    %max3A_283 = arith.maxsi %add3A_281, %max3A_282 : vector<1x128xi32>
    %add3A_284 = arith.constant 1 : i32
    %add3A_285 = vector.broadcast %add3A_284 : i32 to vector<1x128xi32>
    %add3A_286 = arith.addi %convert_element_type3A_275, %add3A_285 : vector<1x128xi32>
    %min3A_287 = vector.broadcast %sub3A_277 : i32 to vector<1x128xi32>
    %min3A_288 = arith.minsi %add3A_286, %min3A_287 : vector<1x128xi32>
    %add3A_289 = arith.constant 0 : i32
    %add3A_290 = vector.broadcast %add3A_289 : i32 to vector<1x128xi32>
    %add3A_291 = arith.addi %add3A_290, %min3A_288 : vector<1x128xi32>
    %max3A_292 = arith.constant 0 : i32
    %max3A_293 = vector.broadcast %max3A_292 : i32 to vector<1x128xi32>
    %max3A_294 = arith.maxsi %add3A_291, %max3A_293 : vector<1x128xi32>
    %shift_right_arithmetic3A = arith.constant 2 : i32
    %shift_right_arithmetic3A_295 = vector.broadcast %shift_right_arithmetic3A : i32 to vector<1x128xi32>
    %shift_right_arithmetic3A_296 = arith.shrsi %max3A_283, %shift_right_arithmetic3A_295 : vector<1x128xi32>
    %swap3A_297 = arith.constant 0 : index
    %swap3A_298 = arith.constant 0 : index
    %swap3A_299 = vector.load %arg6[%swap3A_297, %swap3A_298] : memref<32x128xi32, #tpu.memory_space<vmem>>, vector<1x128xi32>
    tpu.vector_store %arg6[%swap3A_297, %swap3A_298], %shift_right_arithmetic3A_296 {strides = array<i32>} : memref<32x128xi32, #tpu.memory_space<vmem>>, vector<1x128xi32>,
    %shift_right_arithmetic3A_300 = arith.constant 2 : i32
    %shift_right_arithmetic3A_301 = vector.broadcast %shift_right_arithmetic3A_300 : i32 to vector<1x128xi32>
    %shift_right_arithmetic3A_302 = arith.shrsi %max3A_294, %shift_right_arithmetic3A_301 : vector<1x128xi32>
    %swap3A_303 = arith.constant 16 : index
    %swap3A_304 = arith.constant 0 : index
    %swap3A_305 = vector.load %arg6[%swap3A_303, %swap3A_304] : memref<32x128xi32, #tpu.memory_space<vmem>>, vector<1x128xi32>
    tpu.vector_store %arg6[%swap3A_303, %swap3A_304], %shift_right_arithmetic3A_302 {strides = array<i32>} : memref<32x128xi32, #tpu.memory_space<vmem>>, vector<1x128xi32>,
    %and3A = arith.constant 3 : i32
    %and3A_306 = vector.broadcast %and3A : i32 to vector<1x128xi32>
    %and3A_307 = arith.andi %max3A_283, %and3A_306 : vector<1x128xi32>
    %swap3A_308 = arith.constant 0 : index
    %swap3A_309 = arith.constant 0 : index
    %swap3A_310 = vector.load %arg7[%swap3A_308, %swap3A_309] : memref<32x128xi32, #tpu.memory_space<vmem>>, vector<1x128xi32>
    tpu.vector_store %arg7[%swap3A_308, %swap3A_309], %and3A_307 {strides = array<i32>} : memref<32x128xi32, #tpu.memory_space<vmem>>, vector<1x128xi32>,
    %and3A_311 = arith.constant 3 : i32
    %and3A_312 = vector.broadcast %and3A_311 : i32 to vector<1x128xi32>
    %and3A_313 = arith.andi %max3A_294, %and3A_312 : vector<1x128xi32>
    %swap3A_314 = arith.constant 16 : index
    %swap3A_315 = arith.constant 0 : index
    %swap3A_316 = vector.load %arg7[%swap3A_314, %swap3A_315] : memref<32x128xi32, #tpu.memory_space<vmem>>, vector<1x128xi32>
    tpu.vector_store %arg7[%swap3A_314, %swap3A_315], %and3A_313 {strides = array<i32>} : memref<32x128xi32, #tpu.memory_space<vmem>>, vector<1x128xi32>,
    %swap3A_317 = arith.constant 0 : index
    %swap3A_318 = arith.constant 0 : index
    %swap3A_319 = vector.load %arg8[%swap3A_317, %swap3A_318] : memref<16x128xf32, #tpu.memory_space<vmem>>, vector<1x128xf32>
    tpu.vector_store %arg8[%swap3A_317, %swap3A_318], %sub3A_274 {strides = array<i32>} : memref<16x128xf32, #tpu.memory_space<vmem>>, vector<1x128xf32>,
    %eq3A_320 = arith.constant 1 : i32
    %eq3A_321 = arith.cmpi eq, %reduce_sum3A_37, %eq3A_320 : i32
    %jit3A_322 = arith.constant 2 : i32
    %select_n3A_323 = arith.select %eq3A_321, %jit3A_322, %reduce_sum3A_37 : i32
    %sub3A_324 = arith.constant 1 : i32
    %sub3A_325 = arith.subi %select_n3A_323, %sub3A_324 : i32
    %convert_element_type3A_326 = arith.sitofp %sub3A_325 : i32 to f32
    %mul3A_327 = vector.broadcast %convert_element_type3A_326 : f32 to vector<1x128xf32>
    %mul3A_328 = arith.mulf %mul3A_266, %mul3A_327 : vector<1x128xf32>
    %floor3A_329 = math.floor %mul3A_328 : vector<1x128xf32>
    %sub3A_330 = arith.subf %mul3A_328, %floor3A_329 : vector<1x128xf32>
    %convert_element_type3A_331 = arith.fptosi %floor3A_329 : vector<1x128xf32> to vector<1x128xi32>
    %sub3A_332 = arith.constant 1 : i32
    %sub3A_333 = arith.subi %reduce_sum3A_37, %sub3A_332 : i32
    %min3A_334 = vector.broadcast %sub3A_333 : i32 to vector<1x128xi32>
    %min3A_335 = arith.minsi %convert_element_type3A_331, %min3A_334 : vector<1x128xi32>
    %add3A_336 = vector.broadcast %add3A_165 : i32 to vector<1x128xi32>
    %add3A_337 = arith.addi %add3A_336, %min3A_335 : vector<1x128xi32>
    %max3A_338 = arith.constant 0 : i32
    %max3A_339 = vector.broadcast %max3A_338 : i32 to vector<1x128xi32>
    %max3A_340 = arith.maxsi %add3A_337, %max3A_339 : vector<1x128xi32>
    %add3A_341 = arith.constant 1 : i32
    %add3A_342 = vector.broadcast %add3A_341 : i32 to vector<1x128xi32>
    %add3A_343 = arith.addi %convert_element_type3A_331, %add3A_342 : vector<1x128xi32>
    %min3A_344 = vector.broadcast %sub3A_333 : i32 to vector<1x128xi32>
    %min3A_345 = arith.minsi %add3A_343, %min3A_344 : vector<1x128xi32>
    %add3A_346 = vector.broadcast %add3A_165 : i32 to vector<1x128xi32>
    %add3A_347 = arith.addi %add3A_346, %min3A_345 : vector<1x128xi32>
    %max3A_348 = arith.constant 0 : i32
    %max3A_349 = vector.broadcast %max3A_348 : i32 to vector<1x128xi32>
    %max3A_350 = arith.maxsi %add3A_347, %max3A_349 : vector<1x128xi32>
    %shift_right_arithmetic3A_351 = arith.constant 2 : i32
    %shift_right_arithmetic3A_352 = vector.broadcast %shift_right_arithmetic3A_351 : i32 to vector<1x128xi32>
    %shift_right_arithmetic3A_353 = arith.shrsi %max3A_340, %shift_right_arithmetic3A_352 : vector<1x128xi32>
    %swap3A_354 = arith.constant 1 : index
    %swap3A_355 = arith.constant 0 : index
    %swap3A_356 = vector.load %arg6[%swap3A_354, %swap3A_355] : memref<32x128xi32, #tpu.memory_space<vmem>>, vector<1x128xi32>
    tpu.vector_store %arg6[%swap3A_354, %swap3A_355], %shift_right_arithmetic3A_353 {strides = array<i32>} : memref<32x128xi32, #tpu.memory_space<vmem>>, vector<1x128xi32>,
    %shift_right_arithmetic3A_357 = arith.constant 2 : i32
    %shift_right_arithmetic3A_358 = vector.broadcast %shift_right_arithmetic3A_357 : i32 to vector<1x128xi32>
    %shift_right_arithmetic3A_359 = arith.shrsi %max3A_350, %shift_right_arithmetic3A_358 : vector<1x128xi32>
    %swap3A_360 = arith.constant 17 : index
    %swap3A_361 = arith.constant 0 : index
    %swap3A_362 = vector.load %arg6[%swap3A_360, %swap3A_361] : memref<32x128xi32, #tpu.memory_space<vmem>>, vector<1x128xi32>
    tpu.vector_store %arg6[%swap3A_360, %swap3A_361], %shift_right_arithmetic3A_359 {strides = array<i32>} : memref<32x128xi32, #tpu.memory_space<vmem>>, vector<1x128xi32>,
    %and3A_363 = arith.constant 3 : i32
    %and3A_364 = vector.broadcast %and3A_363 : i32 to vector<1x128xi32>
    %and3A_365 = arith.andi %max3A_340, %and3A_364 : vector<1x128xi32>
    %swap3A_366 = arith.constant 1 : index
    %swap3A_367 = arith.constant 0 : index
    %swap3A_368 = vector.load %arg7[%swap3A_366, %swap3A_367] : memref<32x128xi32, #tpu.memory_space<vmem>>, vector<1x128xi32>
    tpu.vector_store %arg7[%swap3A_366, %swap3A_367], %and3A_365 {strides = array<i32>} : memref<32x128xi32, #tpu.memory_space<vmem>>, vector<1x128xi32>,
    %and3A_369 = arith.constant 3 : i32
    %and3A_370 = vector.broadcast %and3A_369 : i32 to vector<1x128xi32>
    %and3A_371 = arith.andi %max3A_350, %and3A_370 : vector<1x128xi32>
    %swap3A_372 = arith.constant 17 : index
    %swap3A_373 = arith.constant 0 : index
    %swap3A_374 = vector.load %arg7[%swap3A_372, %swap3A_373] : memref<32x128xi32, #tpu.memory_space<vmem>>, vector<1x128xi32>
    tpu.vector_store %arg7[%swap3A_372, %swap3A_373], %and3A_371 {strides = array<i32>} : memref<32x128xi32, #tpu.memory_space<vmem>>, vector<1x128xi32>,
    %swap3A_375 = arith.constant 1 : index
    %swap3A_376 = arith.constant 0 : index
    %swap3A_377 = vector.load %arg8[%swap3A_375, %swap3A_376] : memref<16x128xf32, #tpu.memory_space<vmem>>, vector<1x128xf32>
    tpu.vector_store %arg8[%swap3A_375, %swap3A_376], %sub3A_330 {strides = array<i32>} : memref<16x128xf32, #tpu.memory_space<vmem>>, vector<1x128xf32>,
    %eq3A_378 = arith.constant 1 : i32
    %eq3A_379 = arith.cmpi eq, %reduce_sum3A_46, %eq3A_378 : i32
    %jit3A_380 = arith.constant 2 : i32
    %select_n3A_381 = arith.select %eq3A_379, %jit3A_380, %reduce_sum3A_46 : i32
    %sub3A_382 = arith.constant 1 : i32
    %sub3A_383 = arith.subi %select_n3A_381, %sub3A_382 : i32
    %convert_element_type3A_384 = arith.sitofp %sub3A_383 : i32 to f32
    %mul3A_385 = vector.broadcast %convert_element_type3A_384 : f32 to vector<1x128xf32>
    %mul3A_386 = arith.mulf %mul3A_266, %mul3A_385 : vector<1x128xf32>
    %floor3A_387 = math.floor %mul3A_386 : vector<1x128xf32>
    %sub3A_388 = arith.subf %mul3A_386, %floor3A_387 : vector<1x128xf32>
    %convert_element_type3A_389 = arith.fptosi %floor3A_387 : vector<1x128xf32> to vector<1x128xi32>
    %sub3A_390 = arith.constant 1 : i32
    %sub3A_391 = arith.subi %reduce_sum3A_46, %sub3A_390 : i32
    %min3A_392 = vector.broadcast %sub3A_391 : i32 to vector<1x128xi32>
    %min3A_393 = arith.minsi %convert_element_type3A_389, %min3A_392 : vector<1x128xi32>
    %add3A_394 = vector.broadcast %add3A_166 : i32 to vector<1x128xi32>
    %add3A_395 = arith.addi %add3A_394, %min3A_393 : vector<1x128xi32>
    %max3A_396 = arith.constant 0 : i32
    %max3A_397 = vector.broadcast %max3A_396 : i32 to vector<1x128xi32>
    %max3A_398 = arith.maxsi %add3A_395, %max3A_397 : vector<1x128xi32>
    %add3A_399 = arith.constant 1 : i32
    %add3A_400 = vector.broadcast %add3A_399 : i32 to vector<1x128xi32>
    %add3A_401 = arith.addi %convert_element_type3A_389, %add3A_400 : vector<1x128xi32>
    %min3A_402 = vector.broadcast %sub3A_391 : i32 to vector<1x128xi32>
    %min3A_403 = arith.minsi %add3A_401, %min3A_402 : vector<1x128xi32>
    %add3A_404 = vector.broadcast %add3A_166 : i32 to vector<1x128xi32>
    %add3A_405 = arith.addi %add3A_404, %min3A_403 : vector<1x128xi32>
    %max3A_406 = arith.constant 0 : i32
    %max3A_407 = vector.broadcast %max3A_406 : i32 to vector<1x128xi32>
    %max3A_408 = arith.maxsi %add3A_405, %max3A_407 : vector<1x128xi32>
    %shift_right_arithmetic3A_409 = arith.constant 2 : i32
    %shift_right_arithmetic3A_410 = vector.broadcast %shift_right_arithmetic3A_409 : i32 to vector<1x128xi32>
    %shift_right_arithmetic3A_411 = arith.shrsi %max3A_398, %shift_right_arithmetic3A_410 : vector<1x128xi32>
    %swap3A_412 = arith.constant 2 : index
    %swap3A_413 = arith.constant 0 : index
    %swap3A_414 = vector.load %arg6[%swap3A_412, %swap3A_413] : memref<32x128xi32, #tpu.memory_space<vmem>>, vector<1x128xi32>
    tpu.vector_store %arg6[%swap3A_412, %swap3A_413], %shift_right_arithmetic3A_411 {strides = array<i32>} : memref<32x128xi32, #tpu.memory_space<vmem>>, vector<1x128xi32>,
    %shift_right_arithmetic3A_415 = arith.constant 2 : i32
    %shift_right_arithmetic3A_416 = vector.broadcast %shift_right_arithmetic3A_415 : i32 to vector<1x128xi32>
    %shift_right_arithmetic3A_417 = arith.shrsi %max3A_408, %shift_right_arithmetic3A_416 : vector<1x128xi32>
    %swap3A_418 = arith.constant 18 : index
    %swap3A_419 = arith.constant 0 : index
    %swap3A_420 = vector.load %arg6[%swap3A_418, %swap3A_419] : memref<32x128xi32, #tpu.memory_space<vmem>>, vector<1x128xi32>
    tpu.vector_store %arg6[%swap3A_418, %swap3A_419], %shift_right_arithmetic3A_417 {strides = array<i32>} : memref<32x128xi32, #tpu.memory_space<vmem>>, vector<1x128xi32>,
    %and3A_421 = arith.constant 3 : i32
    %and3A_422 = vector.broadcast %and3A_421 : i32 to vector<1x128xi32>
    %and3A_423 = arith.andi %max3A_398, %and3A_422 : vector<1x128xi32>
    %swap3A_424 = arith.constant 2 : index
    %swap3A_425 = arith.constant 0 : index
    %swap3A_426 = vector.load %arg7[%swap3A_424, %swap3A_425] : memref<32x128xi32, #tpu.memory_space<vmem>>, vector<1x128xi32>
    tpu.vector_store %arg7[%swap3A_424, %swap3A_425], %and3A_423 {strides = array<i32>} : memref<32x128xi32, #tpu.memory_space<vmem>>, vector<1x128xi32>,
    %and3A_427 = arith.constant 3 : i32
    %and3A_428 = vector.broadcast %and3A_427 : i32 to vector<1x128xi32>
    %and3A_429 = arith.andi %max3A_408, %and3A_428 : vector<1x128xi32>
    %swap3A_430 = arith.constant 18 : index
    %swap3A_431 = arith.constant 0 : index
    %swap3A_432 = vector.load %arg7[%swap3A_430, %swap3A_431] : memref<32x128xi32, #tpu.memory_space<vmem>>, vector<1x128xi32>
    tpu.vector_store %arg7[%swap3A_430, %swap3A_431], %and3A_429 {strides = array<i32>} : memref<32x128xi32, #tpu.memory_space<vmem>>, vector<1x128xi32>,
    %swap3A_433 = arith.constant 2 : index
    %swap3A_434 = arith.constant 0 : index
    %swap3A_435 = vector.load %arg8[%swap3A_433, %swap3A_434] : memref<16x128xf32, #tpu.memory_space<vmem>>, vector<1x128xf32>
    tpu.vector_store %arg8[%swap3A_433, %swap3A_434], %sub3A_388 {strides = array<i32>} : memref<16x128xf32, #tpu.memory_space<vmem>>, vector<1x128xf32>,
    %eq3A_436 = arith.constant 1 : i32
    %eq3A_437 = arith.cmpi eq, %reduce_sum3A_55, %eq3A_436 : i32
    %jit3A_438 = arith.constant 2 : i32
    %select_n3A_439 = arith.select %eq3A_437, %jit3A_438, %reduce_sum3A_55 : i32
    %sub3A_440 = arith.constant 1 : i32
    %sub3A_441 = arith.subi %select_n3A_439, %sub3A_440 : i32
    %convert_element_type3A_442 = arith.sitofp %sub3A_441 : i32 to f32
    %mul3A_443 = vector.broadcast %convert_element_type3A_442 : f32 to vector<1x128xf32>
    %mul3A_444 = arith.mulf %mul3A_266, %mul3A_443 : vector<1x128xf32>
    %floor3A_445 = math.floor %mul3A_444 : vector<1x128xf32>
    %sub3A_446 = arith.subf %mul3A_444, %floor3A_445 : vector<1x128xf32>
    %convert_element_type3A_447 = arith.fptosi %floor3A_445 : vector<1x128xf32> to vector<1x128xi32>
    %sub3A_448 = arith.constant 1 : i32
    %sub3A_449 = arith.subi %reduce_sum3A_55, %sub3A_448 : i32
    %min3A_450 = vector.broadcast %sub3A_449 : i32 to vector<1x128xi32>
    %min3A_451 = arith.minsi %convert_element_type3A_447, %min3A_450 : vector<1x128xi32>
    %add3A_452 = vector.broadcast %add3A_167 : i32 to vector<1x128xi32>
    %add3A_453 = arith.addi %add3A_452, %min3A_451 : vector<1x128xi32>
    %max3A_454 = arith.constant 0 : i32
    %max3A_455 = vector.broadcast %max3A_454 : i32 to vector<1x128xi32>
    %max3A_456 = arith.maxsi %add3A_453, %max3A_455 : vector<1x128xi32>
    %add3A_457 = arith.constant 1 : i32
    %add3A_458 = vector.broadcast %add3A_457 : i32 to vector<1x128xi32>
    %add3A_459 = arith.addi %convert_element_type3A_447, %add3A_458 : vector<1x128xi32>
    %min3A_460 = vector.broadcast %sub3A_449 : i32 to vector<1x128xi32>
    %min3A_461 = arith.minsi %add3A_459, %min3A_460 : vector<1x128xi32>
    %add3A_462 = vector.broadcast %add3A_167 : i32 to vector<1x128xi32>
    %add3A_463 = arith.addi %add3A_462, %min3A_461 : vector<1x128xi32>
    %max3A_464 = arith.constant 0 : i32
    %max3A_465 = vector.broadcast %max3A_464 : i32 to vector<1x128xi32>
    %max3A_466 = arith.maxsi %add3A_463, %max3A_465 : vector<1x128xi32>
    %shift_right_arithmetic3A_467 = arith.constant 2 : i32
    %shift_right_arithmetic3A_468 = vector.broadcast %shift_right_arithmetic3A_467 : i32 to vector<1x128xi32>
    %shift_right_arithmetic3A_469 = arith.shrsi %max3A_456, %shift_right_arithmetic3A_468 : vector<1x128xi32>
    %swap3A_470 = arith.constant 3 : index
    %swap3A_471 = arith.constant 0 : index
    %swap3A_472 = vector.load %arg6[%swap3A_470, %swap3A_471] : memref<32x128xi32, #tpu.memory_space<vmem>>, vector<1x128xi32>
    tpu.vector_store %arg6[%swap3A_470, %swap3A_471], %shift_right_arithmetic3A_469 {strides = array<i32>} : memref<32x128xi32, #tpu.memory_space<vmem>>, vector<1x128xi32>,
    %shift_right_arithmetic3A_473 = arith.constant 2 : i32
    %shift_right_arithmetic3A_474 = vector.broadcast %shift_right_arithmetic3A_473 : i32 to vector<1x128xi32>
    %shift_right_arithmetic3A_475 = arith.shrsi %max3A_466, %shift_right_arithmetic3A_474 : vector<1x128xi32>
    %swap3A_476 = arith.constant 19 : index
    %swap3A_477 = arith.constant 0 : index
    %swap3A_478 = vector.load %arg6[%swap3A_476, %swap3A_477] : memref<32x128xi32, #tpu.memory_space<vmem>>, vector<1x128xi32>
    tpu.vector_store %arg6[%swap3A_476, %swap3A_477], %shift_right_arithmetic3A_475 {strides = array<i32>} : memref<32x128xi32, #tpu.memory_space<vmem>>, vector<1x128xi32>,
    %and3A_479 = arith.constant 3 : i32
    %and3A_480 = vector.broadcast %and3A_479 : i32 to vector<1x128xi32>
    %and3A_481 = arith.andi %max3A_456, %and3A_480 : vector<1x128xi32>
    %swap3A_482 = arith.constant 3 : index
    %swap3A_483 = arith.constant 0 : index
    %swap3A_484 = vector.load %arg7[%swap3A_482, %swap3A_483] : memref<32x128xi32, #tpu.memory_space<vmem>>, vector<1x128xi32>
    tpu.vector_store %arg7[%swap3A_482, %swap3A_483], %and3A_481 {strides = array<i32>} : memref<32x128xi32, #tpu.memory_space<vmem>>, vector<1x128xi32>,
    %and3A_485 = arith.constant 3 : i32
    %and3A_486 = vector.broadcast %and3A_485 : i32 to vector<1x128xi32>
    %and3A_487 = arith.andi %max3A_466, %and3A_486 : vector<1x128xi32>
    %swap3A_488 = arith.constant 19 : index
    %swap3A_489 = arith.constant 0 : index
    %swap3A_490 = vector.load %arg7[%swap3A_488, %swap3A_489] : memref<32x128xi32, #tpu.memory_space<vmem>>, vector<1x128xi32>
    tpu.vector_store %arg7[%swap3A_488, %swap3A_489], %and3A_487 {strides = array<i32>} : memref<32x128xi32, #tpu.memory_space<vmem>>, vector<1x128xi32>,
    %swap3A_491 = arith.constant 3 : index
    %swap3A_492 = arith.constant 0 : index
    %swap3A_493 = vector.load %arg8[%swap3A_491, %swap3A_492] : memref<16x128xf32, #tpu.memory_space<vmem>>, vector<1x128xf32>
    tpu.vector_store %arg8[%swap3A_491, %swap3A_492], %sub3A_446 {strides = array<i32>} : memref<16x128xf32, #tpu.memory_space<vmem>>, vector<1x128xf32>,
    %eq3A_494 = arith.constant 1 : i32
    %eq3A_495 = arith.cmpi eq, %reduce_sum3A_64, %eq3A_494 : i32
    %jit3A_496 = arith.constant 2 : i32
    %select_n3A_497 = arith.select %eq3A_495, %jit3A_496, %reduce_sum3A_64 : i32
    %sub3A_498 = arith.constant 1 : i32
    %sub3A_499 = arith.subi %select_n3A_497, %sub3A_498 : i32
    %convert_element_type3A_500 = arith.sitofp %sub3A_499 : i32 to f32
    %mul3A_501 = vector.broadcast %convert_element_type3A_500 : f32 to vector<1x128xf32>
    %mul3A_502 = arith.mulf %mul3A_266, %mul3A_501 : vector<1x128xf32>
    %floor3A_503 = math.floor %mul3A_502 : vector<1x128xf32>
    %sub3A_504 = arith.subf %mul3A_502, %floor3A_503 : vector<1x128xf32>
    %convert_element_type3A_505 = arith.fptosi %floor3A_503 : vector<1x128xf32> to vector<1x128xi32>
    %sub3A_506 = arith.constant 1 : i32
    %sub3A_507 = arith.subi %reduce_sum3A_64, %sub3A_506 : i32
    %min3A_508 = vector.broadcast %sub3A_507 : i32 to vector<1x128xi32>
    %min3A_509 = arith.minsi %convert_element_type3A_505, %min3A_508 : vector<1x128xi32>
    %add3A_510 = vector.broadcast %add3A_168 : i32 to vector<1x128xi32>
    %add3A_511 = arith.addi %add3A_510, %min3A_509 : vector<1x128xi32>
    %max3A_512 = arith.constant 0 : i32
    %max3A_513 = vector.broadcast %max3A_512 : i32 to vector<1x128xi32>
    %max3A_514 = arith.maxsi %add3A_511, %max3A_513 : vector<1x128xi32>
    %add3A_515 = arith.constant 1 : i32
    %add3A_516 = vector.broadcast %add3A_515 : i32 to vector<1x128xi32>
    %add3A_517 = arith.addi %convert_element_type3A_505, %add3A_516 : vector<1x128xi32>
    %min3A_518 = vector.broadcast %sub3A_507 : i32 to vector<1x128xi32>
    %min3A_519 = arith.minsi %add3A_517, %min3A_518 : vector<1x128xi32>
    %add3A_520 = vector.broadcast %add3A_168 : i32 to vector<1x128xi32>
    %add3A_521 = arith.addi %add3A_520, %min3A_519 : vector<1x128xi32>
    %max3A_522 = arith.constant 0 : i32
    %max3A_523 = vector.broadcast %max3A_522 : i32 to vector<1x128xi32>
    %max3A_524 = arith.maxsi %add3A_521, %max3A_523 : vector<1x128xi32>
    %shift_right_arithmetic3A_525 = arith.constant 2 : i32
    %shift_right_arithmetic3A_526 = vector.broadcast %shift_right_arithmetic3A_525 : i32 to vector<1x128xi32>
    %shift_right_arithmetic3A_527 = arith.shrsi %max3A_514, %shift_right_arithmetic3A_526 : vector<1x128xi32>
    %swap3A_528 = arith.constant 4 : index
    %swap3A_529 = arith.constant 0 : index
    %swap3A_530 = vector.load %arg6[%swap3A_528, %swap3A_529] : memref<32x128xi32, #tpu.memory_space<vmem>>, vector<1x128xi32>
    tpu.vector_store %arg6[%swap3A_528, %swap3A_529], %shift_right_arithmetic3A_527 {strides = array<i32>} : memref<32x128xi32, #tpu.memory_space<vmem>>, vector<1x128xi32>,
    %shift_right_arithmetic3A_531 = arith.constant 2 : i32
    %shift_right_arithmetic3A_532 = vector.broadcast %shift_right_arithmetic3A_531 : i32 to vector<1x128xi32>
    %shift_right_arithmetic3A_533 = arith.shrsi %max3A_524, %shift_right_arithmetic3A_532 : vector<1x128xi32>
    %swap3A_534 = arith.constant 20 : index
    %swap3A_535 = arith.constant 0 : index
    %swap3A_536 = vector.load %arg6[%swap3A_534, %swap3A_535] : memref<32x128xi32, #tpu.memory_space<vmem>>, vector<1x128xi32>
    tpu.vector_store %arg6[%swap3A_534, %swap3A_535], %shift_right_arithmetic3A_533 {strides = array<i32>} : memref<32x128xi32, #tpu.memory_space<vmem>>, vector<1x128xi32>,
    %and3A_537 = arith.constant 3 : i32
    %and3A_538 = vector.broadcast %and3A_537 : i32 to vector<1x128xi32>
    %and3A_539 = arith.andi %max3A_514, %and3A_538 : vector<1x128xi32>
    %swap3A_540 = arith.constant 4 : index
    %swap3A_541 = arith.constant 0 : index
    %swap3A_542 = vector.load %arg7[%swap3A_540, %swap3A_541] : memref<32x128xi32, #tpu.memory_space<vmem>>, vector<1x128xi32>
    tpu.vector_store %arg7[%swap3A_540, %swap3A_541], %and3A_539 {strides = array<i32>} : memref<32x128xi32, #tpu.memory_space<vmem>>, vector<1x128xi32>,
    %and3A_543 = arith.constant 3 : i32
    %and3A_544 = vector.broadcast %and3A_543 : i32 to vector<1x128xi32>
    %and3A_545 = arith.andi %max3A_524, %and3A_544 : vector<1x128xi32>
    %swap3A_546 = arith.constant 20 : index
    %swap3A_547 = arith.constant 0 : index
    %swap3A_548 = vector.load %arg7[%swap3A_546, %swap3A_547] : memref<32x128xi32, #tpu.memory_space<vmem>>, vector<1x128xi32>
    tpu.vector_store %arg7[%swap3A_546, %swap3A_547], %and3A_545 {strides = array<i32>} : memref<32x128xi32, #tpu.memory_space<vmem>>, vector<1x128xi32>,
    %swap3A_549 = arith.constant 4 : index
    %swap3A_550 = arith.constant 0 : index
    %swap3A_551 = vector.load %arg8[%swap3A_549, %swap3A_550] : memref<16x128xf32, #tpu.memory_space<vmem>>, vector<1x128xf32>
    tpu.vector_store %arg8[%swap3A_549, %swap3A_550], %sub3A_504 {strides = array<i32>} : memref<16x128xf32, #tpu.memory_space<vmem>>, vector<1x128xf32>,
    %eq3A_552 = arith.constant 1 : i32
    %eq3A_553 = arith.cmpi eq, %reduce_sum3A_73, %eq3A_552 : i32
    %jit3A_554 = arith.constant 2 : i32
    %select_n3A_555 = arith.select %eq3A_553, %jit3A_554, %reduce_sum3A_73 : i32
    %sub3A_556 = arith.constant 1 : i32
    %sub3A_557 = arith.subi %select_n3A_555, %sub3A_556 : i32
    %convert_element_type3A_558 = arith.sitofp %sub3A_557 : i32 to f32
    %mul3A_559 = vector.broadcast %convert_element_type3A_558 : f32 to vector<1x128xf32>
    %mul3A_560 = arith.mulf %mul3A_266, %mul3A_559 : vector<1x128xf32>
    %floor3A_561 = math.floor %mul3A_560 : vector<1x128xf32>
    %sub3A_562 = arith.subf %mul3A_560, %floor3A_561 : vector<1x128xf32>
    %convert_element_type3A_563 = arith.fptosi %floor3A_561 : vector<1x128xf32> to vector<1x128xi32>
    %sub3A_564 = arith.constant 1 : i32
    %sub3A_565 = arith.subi %reduce_sum3A_73, %sub3A_564 : i32
    %min3A_566 = vector.broadcast %sub3A_565 : i32 to vector<1x128xi32>
    %min3A_567 = arith.minsi %convert_element_type3A_563, %min3A_566 : vector<1x128xi32>
    %add3A_568 = vector.broadcast %add3A_169 : i32 to vector<1x128xi32>
    %add3A_569 = arith.addi %add3A_568, %min3A_567 : vector<1x128xi32>
    %max3A_570 = arith.constant 0 : i32
    %max3A_571 = vector.broadcast %max3A_570 : i32 to vector<1x128xi32>
    %max3A_572 = arith.maxsi %add3A_569, %max3A_571 : vector<1x128xi32>
    %add3A_573 = arith.constant 1 : i32
    %add3A_574 = vector.broadcast %add3A_573 : i32 to vector<1x128xi32>
    %add3A_575 = arith.addi %convert_element_type3A_563, %add3A_574 : vector<1x128xi32>
    %min3A_576 = vector.broadcast %sub3A_565 : i32 to vector<1x128xi32>
    %min3A_577 = arith.minsi %add3A_575, %min3A_576 : vector<1x128xi32>
    %add3A_578 = vector.broadcast %add3A_169 : i32 to vector<1x128xi32>
    %add3A_579 = arith.addi %add3A_578, %min3A_577 : vector<1x128xi32>
    %max3A_580 = arith.constant 0 : i32
    %max3A_581 = vector.broadcast %max3A_580 : i32 to vector<1x128xi32>
    %max3A_582 = arith.maxsi %add3A_579, %max3A_581 : vector<1x128xi32>
    %shift_right_arithmetic3A_583 = arith.constant 2 : i32
    %shift_right_arithmetic3A_584 = vector.broadcast %shift_right_arithmetic3A_583 : i32 to vector<1x128xi32>
    %shift_right_arithmetic3A_585 = arith.shrsi %max3A_572, %shift_right_arithmetic3A_584 : vector<1x128xi32>
    %swap3A_586 = arith.constant 5 : index
    %swap3A_587 = arith.constant 0 : index
    %swap3A_588 = vector.load %arg6[%swap3A_586, %swap3A_587] : memref<32x128xi32, #tpu.memory_space<vmem>>, vector<1x128xi32>
    tpu.vector_store %arg6[%swap3A_586, %swap3A_587], %shift_right_arithmetic3A_585 {strides = array<i32>} : memref<32x128xi32, #tpu.memory_space<vmem>>, vector<1x128xi32>,
    %shift_right_arithmetic3A_589 = arith.constant 2 : i32
    %shift_right_arithmetic3A_590 = vector.broadcast %shift_right_arithmetic3A_589 : i32 to vector<1x128xi32>
    %shift_right_arithmetic3A_591 = arith.shrsi %max3A_582, %shift_right_arithmetic3A_590 : vector<1x128xi32>
    %swap3A_592 = arith.constant 21 : index
    %swap3A_593 = arith.constant 0 : index
    %swap3A_594 = vector.load %arg6[%swap3A_592, %swap3A_593] : memref<32x128xi32, #tpu.memory_space<vmem>>, vector<1x128xi32>
    tpu.vector_store %arg6[%swap3A_592, %swap3A_593], %shift_right_arithmetic3A_591 {strides = array<i32>} : memref<32x128xi32, #tpu.memory_space<vmem>>, vector<1x128xi32>,
    %and3A_595 = arith.constant 3 : i32
    %and3A_596 = vector.broadcast %and3A_595 : i32 to vector<1x128xi32>
    %and3A_597 = arith.andi %max3A_572, %and3A_596 : vector<1x128xi32>
    %swap3A_598 = arith.constant 5 : index
    %swap3A_599 = arith.constant 0 : index
    %swap3A_600 = vector.load %arg7[%swap3A_598, %swap3A_599] : memref<32x128xi32, #tpu.memory_space<vmem>>, vector<1x128xi32>
    tpu.vector_store %arg7[%swap3A_598, %swap3A_599], %and3A_597 {strides = array<i32>} : memref<32x128xi32, #tpu.memory_space<vmem>>, vector<1x128xi32>,
    %and3A_601 = arith.constant 3 : i32
    %and3A_602 = vector.broadcast %and3A_601 : i32 to vector<1x128xi32>
    %and3A_603 = arith.andi %max3A_582, %and3A_602 : vector<1x128xi32>
    %swap3A_604 = arith.constant 21 : index
    %swap3A_605 = arith.constant 0 : index
    %swap3A_606 = vector.load %arg7[%swap3A_604, %swap3A_605] : memref<32x128xi32, #tpu.memory_space<vmem>>, vector<1x128xi32>
    tpu.vector_store %arg7[%swap3A_604, %swap3A_605], %and3A_603 {strides = array<i32>} : memref<32x128xi32, #tpu.memory_space<vmem>>, vector<1x128xi32>,
    %swap3A_607 = arith.constant 5 : index
    %swap3A_608 = arith.constant 0 : index
    %swap3A_609 = vector.load %arg8[%swap3A_607, %swap3A_608] : memref<16x128xf32, #tpu.memory_space<vmem>>, vector<1x128xf32>
    tpu.vector_store %arg8[%swap3A_607, %swap3A_608], %sub3A_562 {strides = array<i32>} : memref<16x128xf32, #tpu.memory_space<vmem>>, vector<1x128xf32>,
    %eq3A_610 = arith.constant 1 : i32
    %eq3A_611 = arith.cmpi eq, %reduce_sum3A_82, %eq3A_610 : i32
    %jit3A_612 = arith.constant 2 : i32
    %select_n3A_613 = arith.select %eq3A_611, %jit3A_612, %reduce_sum3A_82 : i32
    %sub3A_614 = arith.constant 1 : i32
    %sub3A_615 = arith.subi %select_n3A_613, %sub3A_614 : i32
    %convert_element_type3A_616 = arith.sitofp %sub3A_615 : i32 to f32
    %mul3A_617 = vector.broadcast %convert_element_type3A_616 : f32 to vector<1x128xf32>
    %mul3A_618 = arith.mulf %mul3A_266, %mul3A_617 : vector<1x128xf32>
    %floor3A_619 = math.floor %mul3A_618 : vector<1x128xf32>
    %sub3A_620 = arith.subf %mul3A_618, %floor3A_619 : vector<1x128xf32>
    %convert_element_type3A_621 = arith.fptosi %floor3A_619 : vector<1x128xf32> to vector<1x128xi32>
    %sub3A_622 = arith.constant 1 : i32
    %sub3A_623 = arith.subi %reduce_sum3A_82, %sub3A_622 : i32
    %min3A_624 = vector.broadcast %sub3A_623 : i32 to vector<1x128xi32>
    %min3A_625 = arith.minsi %convert_element_type3A_621, %min3A_624 : vector<1x128xi32>
    %add3A_626 = vector.broadcast %add3A_170 : i32 to vector<1x128xi32>
    %add3A_627 = arith.addi %add3A_626, %min3A_625 : vector<1x128xi32>
    %max3A_628 = arith.constant 0 : i32
    %max3A_629 = vector.broadcast %max3A_628 : i32 to vector<1x128xi32>
    %max3A_630 = arith.maxsi %add3A_627, %max3A_629 : vector<1x128xi32>
    %add3A_631 = arith.constant 1 : i32
    %add3A_632 = vector.broadcast %add3A_631 : i32 to vector<1x128xi32>
    %add3A_633 = arith.addi %convert_element_type3A_621, %add3A_632 : vector<1x128xi32>
    %min3A_634 = vector.broadcast %sub3A_623 : i32 to vector<1x128xi32>
    %min3A_635 = arith.minsi %add3A_633, %min3A_634 : vector<1x128xi32>
    %add3A_636 = vector.broadcast %add3A_170 : i32 to vector<1x128xi32>
    %add3A_637 = arith.addi %add3A_636, %min3A_635 : vector<1x128xi32>
    %max3A_638 = arith.constant 0 : i32
    %max3A_639 = vector.broadcast %max3A_638 : i32 to vector<1x128xi32>
    %max3A_640 = arith.maxsi %add3A_637, %max3A_639 : vector<1x128xi32>
    %shift_right_arithmetic3A_641 = arith.constant 2 : i32
    %shift_right_arithmetic3A_642 = vector.broadcast %shift_right_arithmetic3A_641 : i32 to vector<1x128xi32>
    %shift_right_arithmetic3A_643 = arith.shrsi %max3A_630, %shift_right_arithmetic3A_642 : vector<1x128xi32>
    %swap3A_644 = arith.constant 6 : index
    %swap3A_645 = arith.constant 0 : index
    %swap3A_646 = vector.load %arg6[%swap3A_644, %swap3A_645] : memref<32x128xi32, #tpu.memory_space<vmem>>, vector<1x128xi32>
    tpu.vector_store %arg6[%swap3A_644, %swap3A_645], %shift_right_arithmetic3A_643 {strides = array<i32>} : memref<32x128xi32, #tpu.memory_space<vmem>>, vector<1x128xi32>,
    %shift_right_arithmetic3A_647 = arith.constant 2 : i32
    %shift_right_arithmetic3A_648 = vector.broadcast %shift_right_arithmetic3A_647 : i32 to vector<1x128xi32>
    %shift_right_arithmetic3A_649 = arith.shrsi %max3A_640, %shift_right_arithmetic3A_648 : vector<1x128xi32>
    %swap3A_650 = arith.constant 22 : index
    %swap3A_651 = arith.constant 0 : index
    %swap3A_652 = vector.load %arg6[%swap3A_650, %swap3A_651] : memref<32x128xi32, #tpu.memory_space<vmem>>, vector<1x128xi32>
    tpu.vector_store %arg6[%swap3A_650, %swap3A_651], %shift_right_arithmetic3A_649 {strides = array<i32>} : memref<32x128xi32, #tpu.memory_space<vmem>>, vector<1x128xi32>,
    %and3A_653 = arith.constant 3 : i32
    %and3A_654 = vector.broadcast %and3A_653 : i32 to vector<1x128xi32>
    %and3A_655 = arith.andi %max3A_630, %and3A_654 : vector<1x128xi32>
    %swap3A_656 = arith.constant 6 : index
    %swap3A_657 = arith.constant 0 : index
    %swap3A_658 = vector.load %arg7[%swap3A_656, %swap3A_657] : memref<32x128xi32, #tpu.memory_space<vmem>>, vector<1x128xi32>
    tpu.vector_store %arg7[%swap3A_656, %swap3A_657], %and3A_655 {strides = array<i32>} : memref<32x128xi32, #tpu.memory_space<vmem>>, vector<1x128xi32>,
    %and3A_659 = arith.constant 3 : i32
    %and3A_660 = vector.broadcast %and3A_659 : i32 to vector<1x128xi32>
    %and3A_661 = arith.andi %max3A_640, %and3A_660 : vector<1x128xi32>
    %swap3A_662 = arith.constant 22 : index
    %swap3A_663 = arith.constant 0 : index
    %swap3A_664 = vector.load %arg7[%swap3A_662, %swap3A_663] : memref<32x128xi32, #tpu.memory_space<vmem>>, vector<1x128xi32>
    tpu.vector_store %arg7[%swap3A_662, %swap3A_663], %and3A_661 {strides = array<i32>} : memref<32x128xi32, #tpu.memory_space<vmem>>, vector<1x128xi32>,
    %swap3A_665 = arith.constant 6 : index
    %swap3A_666 = arith.constant 0 : index
    %swap3A_667 = vector.load %arg8[%swap3A_665, %swap3A_666] : memref<16x128xf32, #tpu.memory_space<vmem>>, vector<1x128xf32>
    tpu.vector_store %arg8[%swap3A_665, %swap3A_666], %sub3A_620 {strides = array<i32>} : memref<16x128xf32, #tpu.memory_space<vmem>>, vector<1x128xf32>,
    %eq3A_668 = arith.constant 1 : i32
    %eq3A_669 = arith.cmpi eq, %reduce_sum3A_91, %eq3A_668 : i32
    %jit3A_670 = arith.constant 2 : i32
    %select_n3A_671 = arith.select %eq3A_669, %jit3A_670, %reduce_sum3A_91 : i32
    %sub3A_672 = arith.constant 1 : i32
    %sub3A_673 = arith.subi %select_n3A_671, %sub3A_672 : i32
    %convert_element_type3A_674 = arith.sitofp %sub3A_673 : i32 to f32
    %mul3A_675 = vector.broadcast %convert_element_type3A_674 : f32 to vector<1x128xf32>
    %mul3A_676 = arith.mulf %mul3A_266, %mul3A_675 : vector<1x128xf32>
    %floor3A_677 = math.floor %mul3A_676 : vector<1x128xf32>
    %sub3A_678 = arith.subf %mul3A_676, %floor3A_677 : vector<1x128xf32>
    %convert_element_type3A_679 = arith.fptosi %floor3A_677 : vector<1x128xf32> to vector<1x128xi32>
    %sub3A_680 = arith.constant 1 : i32
    %sub3A_681 = arith.subi %reduce_sum3A_91, %sub3A_680 : i32
    %min3A_682 = vector.broadcast %sub3A_681 : i32 to vector<1x128xi32>
    %min3A_683 = arith.minsi %convert_element_type3A_679, %min3A_682 : vector<1x128xi32>
    %add3A_684 = vector.broadcast %add3A_171 : i32 to vector<1x128xi32>
    %add3A_685 = arith.addi %add3A_684, %min3A_683 : vector<1x128xi32>
    %max3A_686 = arith.constant 0 : i32
    %max3A_687 = vector.broadcast %max3A_686 : i32 to vector<1x128xi32>
    %max3A_688 = arith.maxsi %add3A_685, %max3A_687 : vector<1x128xi32>
    %add3A_689 = arith.constant 1 : i32
    %add3A_690 = vector.broadcast %add3A_689 : i32 to vector<1x128xi32>
    %add3A_691 = arith.addi %convert_element_type3A_679, %add3A_690 : vector<1x128xi32>
    %min3A_692 = vector.broadcast %sub3A_681 : i32 to vector<1x128xi32>
    %min3A_693 = arith.minsi %add3A_691, %min3A_692 : vector<1x128xi32>
    %add3A_694 = vector.broadcast %add3A_171 : i32 to vector<1x128xi32>
    %add3A_695 = arith.addi %add3A_694, %min3A_693 : vector<1x128xi32>
    %max3A_696 = arith.constant 0 : i32
    %max3A_697 = vector.broadcast %max3A_696 : i32 to vector<1x128xi32>
    %max3A_698 = arith.maxsi %add3A_695, %max3A_697 : vector<1x128xi32>
    %shift_right_arithmetic3A_699 = arith.constant 2 : i32
    %shift_right_arithmetic3A_700 = vector.broadcast %shift_right_arithmetic3A_699 : i32 to vector<1x128xi32>
    %shift_right_arithmetic3A_701 = arith.shrsi %max3A_688, %shift_right_arithmetic3A_700 : vector<1x128xi32>
    %swap3A_702 = arith.constant 7 : index
    %swap3A_703 = arith.constant 0 : index
    %swap3A_704 = vector.load %arg6[%swap3A_702, %swap3A_703] : memref<32x128xi32, #tpu.memory_space<vmem>>, vector<1x128xi32>
    tpu.vector_store %arg6[%swap3A_702, %swap3A_703], %shift_right_arithmetic3A_701 {strides = array<i32>} : memref<32x128xi32, #tpu.memory_space<vmem>>, vector<1x128xi32>,
    %shift_right_arithmetic3A_705 = arith.constant 2 : i32
    %shift_right_arithmetic3A_706 = vector.broadcast %shift_right_arithmetic3A_705 : i32 to vector<1x128xi32>
    %shift_right_arithmetic3A_707 = arith.shrsi %max3A_698, %shift_right_arithmetic3A_706 : vector<1x128xi32>
    %swap3A_708 = arith.constant 23 : index
    %swap3A_709 = arith.constant 0 : index
    %swap3A_710 = vector.load %arg6[%swap3A_708, %swap3A_709] : memref<32x128xi32, #tpu.memory_space<vmem>>, vector<1x128xi32>
    tpu.vector_store %arg6[%swap3A_708, %swap3A_709], %shift_right_arithmetic3A_707 {strides = array<i32>} : memref<32x128xi32, #tpu.memory_space<vmem>>, vector<1x128xi32>,
    %and3A_711 = arith.constant 3 : i32
    %and3A_712 = vector.broadcast %and3A_711 : i32 to vector<1x128xi32>
    %and3A_713 = arith.andi %max3A_688, %and3A_712 : vector<1x128xi32>
    %swap3A_714 = arith.constant 7 : index
    %swap3A_715 = arith.constant 0 : index
    %swap3A_716 = vector.load %arg7[%swap3A_714, %swap3A_715] : memref<32x128xi32, #tpu.memory_space<vmem>>, vector<1x128xi32>
    tpu.vector_store %arg7[%swap3A_714, %swap3A_715], %and3A_713 {strides = array<i32>} : memref<32x128xi32, #tpu.memory_space<vmem>>, vector<1x128xi32>,
    %and3A_717 = arith.constant 3 : i32
    %and3A_718 = vector.broadcast %and3A_717 : i32 to vector<1x128xi32>
    %and3A_719 = arith.andi %max3A_698, %and3A_718 : vector<1x128xi32>
    %swap3A_720 = arith.constant 23 : index
    %swap3A_721 = arith.constant 0 : index
    %swap3A_722 = vector.load %arg7[%swap3A_720, %swap3A_721] : memref<32x128xi32, #tpu.memory_space<vmem>>, vector<1x128xi32>
    tpu.vector_store %arg7[%swap3A_720, %swap3A_721], %and3A_719 {strides = array<i32>} : memref<32x128xi32, #tpu.memory_space<vmem>>, vector<1x128xi32>,
    %swap3A_723 = arith.constant 7 : index
    %swap3A_724 = arith.constant 0 : index
    %swap3A_725 = vector.load %arg8[%swap3A_723, %swap3A_724] : memref<16x128xf32, #tpu.memory_space<vmem>>, vector<1x128xf32>
    tpu.vector_store %arg8[%swap3A_723, %swap3A_724], %sub3A_678 {strides = array<i32>} : memref<16x128xf32, #tpu.memory_space<vmem>>, vector<1x128xf32>,
    %eq3A_726 = arith.constant 1 : i32
    %eq3A_727 = arith.cmpi eq, %reduce_sum3A_100, %eq3A_726 : i32
    %jit3A_728 = arith.constant 2 : i32
    %select_n3A_729 = arith.select %eq3A_727, %jit3A_728, %reduce_sum3A_100 : i32
    %sub3A_730 = arith.constant 1 : i32
    %sub3A_731 = arith.subi %select_n3A_729, %sub3A_730 : i32
    %convert_element_type3A_732 = arith.sitofp %sub3A_731 : i32 to f32
    %mul3A_733 = vector.broadcast %convert_element_type3A_732 : f32 to vector<1x128xf32>
    %mul3A_734 = arith.mulf %mul3A_266, %mul3A_733 : vector<1x128xf32>
    %floor3A_735 = math.floor %mul3A_734 : vector<1x128xf32>
    %sub3A_736 = arith.subf %mul3A_734, %floor3A_735 : vector<1x128xf32>
    %convert_element_type3A_737 = arith.fptosi %floor3A_735 : vector<1x128xf32> to vector<1x128xi32>
    %sub3A_738 = arith.constant 1 : i32
    %sub3A_739 = arith.subi %reduce_sum3A_100, %sub3A_738 : i32
    %min3A_740 = vector.broadcast %sub3A_739 : i32 to vector<1x128xi32>
    %min3A_741 = arith.minsi %convert_element_type3A_737, %min3A_740 : vector<1x128xi32>
    %add3A_742 = vector.broadcast %add3A_172 : i32 to vector<1x128xi32>
    %add3A_743 = arith.addi %add3A_742, %min3A_741 : vector<1x128xi32>
    %max3A_744 = arith.constant 0 : i32
    %max3A_745 = vector.broadcast %max3A_744 : i32 to vector<1x128xi32>
    %max3A_746 = arith.maxsi %add3A_743, %max3A_745 : vector<1x128xi32>
    %add3A_747 = arith.constant 1 : i32
    %add3A_748 = vector.broadcast %add3A_747 : i32 to vector<1x128xi32>
    %add3A_749 = arith.addi %convert_element_type3A_737, %add3A_748 : vector<1x128xi32>
    %min3A_750 = vector.broadcast %sub3A_739 : i32 to vector<1x128xi32>
    %min3A_751 = arith.minsi %add3A_749, %min3A_750 : vector<1x128xi32>
    %add3A_752 = vector.broadcast %add3A_172 : i32 to vector<1x128xi32>
    %add3A_753 = arith.addi %add3A_752, %min3A_751 : vector<1x128xi32>
    %max3A_754 = arith.constant 0 : i32
    %max3A_755 = vector.broadcast %max3A_754 : i32 to vector<1x128xi32>
    %max3A_756 = arith.maxsi %add3A_753, %max3A_755 : vector<1x128xi32>
    %shift_right_arithmetic3A_757 = arith.constant 2 : i32
    %shift_right_arithmetic3A_758 = vector.broadcast %shift_right_arithmetic3A_757 : i32 to vector<1x128xi32>
    %shift_right_arithmetic3A_759 = arith.shrsi %max3A_746, %shift_right_arithmetic3A_758 : vector<1x128xi32>
    %swap3A_760 = arith.constant 8 : index
    %swap3A_761 = arith.constant 0 : index
    %swap3A_762 = vector.load %arg6[%swap3A_760, %swap3A_761] : memref<32x128xi32, #tpu.memory_space<vmem>>, vector<1x128xi32>
    tpu.vector_store %arg6[%swap3A_760, %swap3A_761], %shift_right_arithmetic3A_759 {strides = array<i32>} : memref<32x128xi32, #tpu.memory_space<vmem>>, vector<1x128xi32>,
    %shift_right_arithmetic3A_763 = arith.constant 2 : i32
    %shift_right_arithmetic3A_764 = vector.broadcast %shift_right_arithmetic3A_763 : i32 to vector<1x128xi32>
    %shift_right_arithmetic3A_765 = arith.shrsi %max3A_756, %shift_right_arithmetic3A_764 : vector<1x128xi32>
    %swap3A_766 = arith.constant 24 : index
    %swap3A_767 = arith.constant 0 : index
    %swap3A_768 = vector.load %arg6[%swap3A_766, %swap3A_767] : memref<32x128xi32, #tpu.memory_space<vmem>>, vector<1x128xi32>
    tpu.vector_store %arg6[%swap3A_766, %swap3A_767], %shift_right_arithmetic3A_765 {strides = array<i32>} : memref<32x128xi32, #tpu.memory_space<vmem>>, vector<1x128xi32>,
    %and3A_769 = arith.constant 3 : i32
    %and3A_770 = vector.broadcast %and3A_769 : i32 to vector<1x128xi32>
    %and3A_771 = arith.andi %max3A_746, %and3A_770 : vector<1x128xi32>
    %swap3A_772 = arith.constant 8 : index
    %swap3A_773 = arith.constant 0 : index
    %swap3A_774 = vector.load %arg7[%swap3A_772, %swap3A_773] : memref<32x128xi32, #tpu.memory_space<vmem>>, vector<1x128xi32>
    tpu.vector_store %arg7[%swap3A_772, %swap3A_773], %and3A_771 {strides = array<i32>} : memref<32x128xi32, #tpu.memory_space<vmem>>, vector<1x128xi32>,
    %and3A_775 = arith.constant 3 : i32
    %and3A_776 = vector.broadcast %and3A_775 : i32 to vector<1x128xi32>
    %and3A_777 = arith.andi %max3A_756, %and3A_776 : vector<1x128xi32>
    %swap3A_778 = arith.constant 24 : index
    %swap3A_779 = arith.constant 0 : index
    %swap3A_780 = vector.load %arg7[%swap3A_778, %swap3A_779] : memref<32x128xi32, #tpu.memory_space<vmem>>, vector<1x128xi32>
    tpu.vector_store %arg7[%swap3A_778, %swap3A_779], %and3A_777 {strides = array<i32>} : memref<32x128xi32, #tpu.memory_space<vmem>>, vector<1x128xi32>,
    %swap3A_781 = arith.constant 8 : index
    %swap3A_782 = arith.constant 0 : index
    %swap3A_783 = vector.load %arg8[%swap3A_781, %swap3A_782] : memref<16x128xf32, #tpu.memory_space<vmem>>, vector<1x128xf32>
    tpu.vector_store %arg8[%swap3A_781, %swap3A_782], %sub3A_736 {strides = array<i32>} : memref<16x128xf32, #tpu.memory_space<vmem>>, vector<1x128xf32>,
    %eq3A_784 = arith.constant 1 : i32
    %eq3A_785 = arith.cmpi eq, %reduce_sum3A_109, %eq3A_784 : i32
    %jit3A_786 = arith.constant 2 : i32
    %select_n3A_787 = arith.select %eq3A_785, %jit3A_786, %reduce_sum3A_109 : i32
    %sub3A_788 = arith.constant 1 : i32
    %sub3A_789 = arith.subi %select_n3A_787, %sub3A_788 : i32
    %convert_element_type3A_790 = arith.sitofp %sub3A_789 : i32 to f32
    %mul3A_791 = vector.broadcast %convert_element_type3A_790 : f32 to vector<1x128xf32>
    %mul3A_792 = arith.mulf %mul3A_266, %mul3A_791 : vector<1x128xf32>
    %floor3A_793 = math.floor %mul3A_792 : vector<1x128xf32>
    %sub3A_794 = arith.subf %mul3A_792, %floor3A_793 : vector<1x128xf32>
    %convert_element_type3A_795 = arith.fptosi %floor3A_793 : vector<1x128xf32> to vector<1x128xi32>
    %sub3A_796 = arith.constant 1 : i32
    %sub3A_797 = arith.subi %reduce_sum3A_109, %sub3A_796 : i32
    %min3A_798 = vector.broadcast %sub3A_797 : i32 to vector<1x128xi32>
    %min3A_799 = arith.minsi %convert_element_type3A_795, %min3A_798 : vector<1x128xi32>
    %add3A_800 = vector.broadcast %add3A_173 : i32 to vector<1x128xi32>
    %add3A_801 = arith.addi %add3A_800, %min3A_799 : vector<1x128xi32>
    %max3A_802 = arith.constant 0 : i32
    %max3A_803 = vector.broadcast %max3A_802 : i32 to vector<1x128xi32>
    %max3A_804 = arith.maxsi %add3A_801, %max3A_803 : vector<1x128xi32>
    %add3A_805 = arith.constant 1 : i32
    %add3A_806 = vector.broadcast %add3A_805 : i32 to vector<1x128xi32>
    %add3A_807 = arith.addi %convert_element_type3A_795, %add3A_806 : vector<1x128xi32>
    %min3A_808 = vector.broadcast %sub3A_797 : i32 to vector<1x128xi32>
    %min3A_809 = arith.minsi %add3A_807, %min3A_808 : vector<1x128xi32>
    %add3A_810 = vector.broadcast %add3A_173 : i32 to vector<1x128xi32>
    %add3A_811 = arith.addi %add3A_810, %min3A_809 : vector<1x128xi32>
    %max3A_812 = arith.constant 0 : i32
    %max3A_813 = vector.broadcast %max3A_812 : i32 to vector<1x128xi32>
    %max3A_814 = arith.maxsi %add3A_811, %max3A_813 : vector<1x128xi32>
    %shift_right_arithmetic3A_815 = arith.constant 2 : i32
    %shift_right_arithmetic3A_816 = vector.broadcast %shift_right_arithmetic3A_815 : i32 to vector<1x128xi32>
    %shift_right_arithmetic3A_817 = arith.shrsi %max3A_804, %shift_right_arithmetic3A_816 : vector<1x128xi32>
    %swap3A_818 = arith.constant 9 : index
    %swap3A_819 = arith.constant 0 : index
    %swap3A_820 = vector.load %arg6[%swap3A_818, %swap3A_819] : memref<32x128xi32, #tpu.memory_space<vmem>>, vector<1x128xi32>
    tpu.vector_store %arg6[%swap3A_818, %swap3A_819], %shift_right_arithmetic3A_817 {strides = array<i32>} : memref<32x128xi32, #tpu.memory_space<vmem>>, vector<1x128xi32>,
    %shift_right_arithmetic3A_821 = arith.constant 2 : i32
    %shift_right_arithmetic3A_822 = vector.broadcast %shift_right_arithmetic3A_821 : i32 to vector<1x128xi32>
    %shift_right_arithmetic3A_823 = arith.shrsi %max3A_814, %shift_right_arithmetic3A_822 : vector<1x128xi32>
    %swap3A_824 = arith.constant 25 : index
    %swap3A_825 = arith.constant 0 : index
    %swap3A_826 = vector.load %arg6[%swap3A_824, %swap3A_825] : memref<32x128xi32, #tpu.memory_space<vmem>>, vector<1x128xi32>
    tpu.vector_store %arg6[%swap3A_824, %swap3A_825], %shift_right_arithmetic3A_823 {strides = array<i32>} : memref<32x128xi32, #tpu.memory_space<vmem>>, vector<1x128xi32>,
    %and3A_827 = arith.constant 3 : i32
    %and3A_828 = vector.broadcast %and3A_827 : i32 to vector<1x128xi32>
    %and3A_829 = arith.andi %max3A_804, %and3A_828 : vector<1x128xi32>
    %swap3A_830 = arith.constant 9 : index
    %swap3A_831 = arith.constant 0 : index
    %swap3A_832 = vector.load %arg7[%swap3A_830, %swap3A_831] : memref<32x128xi32, #tpu.memory_space<vmem>>, vector<1x128xi32>
    tpu.vector_store %arg7[%swap3A_830, %swap3A_831], %and3A_829 {strides = array<i32>} : memref<32x128xi32, #tpu.memory_space<vmem>>, vector<1x128xi32>,
    %and3A_833 = arith.constant 3 : i32
    %and3A_834 = vector.broadcast %and3A_833 : i32 to vector<1x128xi32>
    %and3A_835 = arith.andi %max3A_814, %and3A_834 : vector<1x128xi32>
    %swap3A_836 = arith.constant 25 : index
    %swap3A_837 = arith.constant 0 : index
    %swap3A_838 = vector.load %arg7[%swap3A_836, %swap3A_837] : memref<32x128xi32, #tpu.memory_space<vmem>>, vector<1x128xi32>
    tpu.vector_store %arg7[%swap3A_836, %swap3A_837], %and3A_835 {strides = array<i32>} : memref<32x128xi32, #tpu.memory_space<vmem>>, vector<1x128xi32>,
    %swap3A_839 = arith.constant 9 : index
    %swap3A_840 = arith.constant 0 : index
    %swap3A_841 = vector.load %arg8[%swap3A_839, %swap3A_840] : memref<16x128xf32, #tpu.memory_space<vmem>>, vector<1x128xf32>
    tpu.vector_store %arg8[%swap3A_839, %swap3A_840], %sub3A_794 {strides = array<i32>} : memref<16x128xf32, #tpu.memory_space<vmem>>, vector<1x128xf32>,
    %eq3A_842 = arith.constant 1 : i32
    %eq3A_843 = arith.cmpi eq, %reduce_sum3A_118, %eq3A_842 : i32
    %jit3A_844 = arith.constant 2 : i32
    %select_n3A_845 = arith.select %eq3A_843, %jit3A_844, %reduce_sum3A_118 : i32
    %sub3A_846 = arith.constant 1 : i32
    %sub3A_847 = arith.subi %select_n3A_845, %sub3A_846 : i32
    %convert_element_type3A_848 = arith.sitofp %sub3A_847 : i32 to f32
    %mul3A_849 = vector.broadcast %convert_element_type3A_848 : f32 to vector<1x128xf32>
    %mul3A_850 = arith.mulf %mul3A_266, %mul3A_849 : vector<1x128xf32>
    %floor3A_851 = math.floor %mul3A_850 : vector<1x128xf32>
    %sub3A_852 = arith.subf %mul3A_850, %floor3A_851 : vector<1x128xf32>
    %convert_element_type3A_853 = arith.fptosi %floor3A_851 : vector<1x128xf32> to vector<1x128xi32>
    %sub3A_854 = arith.constant 1 : i32
    %sub3A_855 = arith.subi %reduce_sum3A_118, %sub3A_854 : i32
    %min3A_856 = vector.broadcast %sub3A_855 : i32 to vector<1x128xi32>
    %min3A_857 = arith.minsi %convert_element_type3A_853, %min3A_856 : vector<1x128xi32>
    %add3A_858 = vector.broadcast %add3A_174 : i32 to vector<1x128xi32>
    %add3A_859 = arith.addi %add3A_858, %min3A_857 : vector<1x128xi32>
    %max3A_860 = arith.constant 0 : i32
    %max3A_861 = vector.broadcast %max3A_860 : i32 to vector<1x128xi32>
    %max3A_862 = arith.maxsi %add3A_859, %max3A_861 : vector<1x128xi32>
    %add3A_863 = arith.constant 1 : i32
    %add3A_864 = vector.broadcast %add3A_863 : i32 to vector<1x128xi32>
    %add3A_865 = arith.addi %convert_element_type3A_853, %add3A_864 : vector<1x128xi32>
    %min3A_866 = vector.broadcast %sub3A_855 : i32 to vector<1x128xi32>
    %min3A_867 = arith.minsi %add3A_865, %min3A_866 : vector<1x128xi32>
    %add3A_868 = vector.broadcast %add3A_174 : i32 to vector<1x128xi32>
    %add3A_869 = arith.addi %add3A_868, %min3A_867 : vector<1x128xi32>
    %max3A_870 = arith.constant 0 : i32
    %max3A_871 = vector.broadcast %max3A_870 : i32 to vector<1x128xi32>
    %max3A_872 = arith.maxsi %add3A_869, %max3A_871 : vector<1x128xi32>
    %shift_right_arithmetic3A_873 = arith.constant 2 : i32
    %shift_right_arithmetic3A_874 = vector.broadcast %shift_right_arithmetic3A_873 : i32 to vector<1x128xi32>
    %shift_right_arithmetic3A_875 = arith.shrsi %max3A_862, %shift_right_arithmetic3A_874 : vector<1x128xi32>
    %swap3A_876 = arith.constant 10 : index
    %swap3A_877 = arith.constant 0 : index
    %swap3A_878 = vector.load %arg6[%swap3A_876, %swap3A_877] : memref<32x128xi32, #tpu.memory_space<vmem>>, vector<1x128xi32>
    tpu.vector_store %arg6[%swap3A_876, %swap3A_877], %shift_right_arithmetic3A_875 {strides = array<i32>} : memref<32x128xi32, #tpu.memory_space<vmem>>, vector<1x128xi32>,
    %shift_right_arithmetic3A_879 = arith.constant 2 : i32
    %shift_right_arithmetic3A_880 = vector.broadcast %shift_right_arithmetic3A_879 : i32 to vector<1x128xi32>
    %shift_right_arithmetic3A_881 = arith.shrsi %max3A_872, %shift_right_arithmetic3A_880 : vector<1x128xi32>
    %swap3A_882 = arith.constant 26 : index
    %swap3A_883 = arith.constant 0 : index
    %swap3A_884 = vector.load %arg6[%swap3A_882, %swap3A_883] : memref<32x128xi32, #tpu.memory_space<vmem>>, vector<1x128xi32>
    tpu.vector_store %arg6[%swap3A_882, %swap3A_883], %shift_right_arithmetic3A_881 {strides = array<i32>} : memref<32x128xi32, #tpu.memory_space<vmem>>, vector<1x128xi32>,
    %and3A_885 = arith.constant 3 : i32
    %and3A_886 = vector.broadcast %and3A_885 : i32 to vector<1x128xi32>
    %and3A_887 = arith.andi %max3A_862, %and3A_886 : vector<1x128xi32>
    %swap3A_888 = arith.constant 10 : index
    %swap3A_889 = arith.constant 0 : index
    %swap3A_890 = vector.load %arg7[%swap3A_888, %swap3A_889] : memref<32x128xi32, #tpu.memory_space<vmem>>, vector<1x128xi32>
    tpu.vector_store %arg7[%swap3A_888, %swap3A_889], %and3A_887 {strides = array<i32>} : memref<32x128xi32, #tpu.memory_space<vmem>>, vector<1x128xi32>,
    %and3A_891 = arith.constant 3 : i32
    %and3A_892 = vector.broadcast %and3A_891 : i32 to vector<1x128xi32>
    %and3A_893 = arith.andi %max3A_872, %and3A_892 : vector<1x128xi32>
    %swap3A_894 = arith.constant 26 : index
    %swap3A_895 = arith.constant 0 : index
    %swap3A_896 = vector.load %arg7[%swap3A_894, %swap3A_895] : memref<32x128xi32, #tpu.memory_space<vmem>>, vector<1x128xi32>
    tpu.vector_store %arg7[%swap3A_894, %swap3A_895], %and3A_893 {strides = array<i32>} : memref<32x128xi32, #tpu.memory_space<vmem>>, vector<1x128xi32>,
    %swap3A_897 = arith.constant 10 : index
    %swap3A_898 = arith.constant 0 : index
    %swap3A_899 = vector.load %arg8[%swap3A_897, %swap3A_898] : memref<16x128xf32, #tpu.memory_space<vmem>>, vector<1x128xf32>
    tpu.vector_store %arg8[%swap3A_897, %swap3A_898], %sub3A_852 {strides = array<i32>} : memref<16x128xf32, #tpu.memory_space<vmem>>, vector<1x128xf32>,
    %eq3A_900 = arith.constant 1 : i32
    %eq3A_901 = arith.cmpi eq, %reduce_sum3A_127, %eq3A_900 : i32
    %jit3A_902 = arith.constant 2 : i32
    %select_n3A_903 = arith.select %eq3A_901, %jit3A_902, %reduce_sum3A_127 : i32
    %sub3A_904 = arith.constant 1 : i32
    %sub3A_905 = arith.subi %select_n3A_903, %sub3A_904 : i32
    %convert_element_type3A_906 = arith.sitofp %sub3A_905 : i32 to f32
    %mul3A_907 = vector.broadcast %convert_element_type3A_906 : f32 to vector<1x128xf32>
    %mul3A_908 = arith.mulf %mul3A_266, %mul3A_907 : vector<1x128xf32>
    %floor3A_909 = math.floor %mul3A_908 : vector<1x128xf32>
    %sub3A_910 = arith.subf %mul3A_908, %floor3A_909 : vector<1x128xf32>
    %convert_element_type3A_911 = arith.fptosi %floor3A_909 : vector<1x128xf32> to vector<1x128xi32>
    %sub3A_912 = arith.constant 1 : i32
    %sub3A_913 = arith.subi %reduce_sum3A_127, %sub3A_912 : i32
    %min3A_914 = vector.broadcast %sub3A_913 : i32 to vector<1x128xi32>
    %min3A_915 = arith.minsi %convert_element_type3A_911, %min3A_914 : vector<1x128xi32>
    %add3A_916 = vector.broadcast %add3A_175 : i32 to vector<1x128xi32>
    %add3A_917 = arith.addi %add3A_916, %min3A_915 : vector<1x128xi32>
    %max3A_918 = arith.constant 0 : i32
    %max3A_919 = vector.broadcast %max3A_918 : i32 to vector<1x128xi32>
    %max3A_920 = arith.maxsi %add3A_917, %max3A_919 : vector<1x128xi32>
    %add3A_921 = arith.constant 1 : i32
    %add3A_922 = vector.broadcast %add3A_921 : i32 to vector<1x128xi32>
    %add3A_923 = arith.addi %convert_element_type3A_911, %add3A_922 : vector<1x128xi32>
    %min3A_924 = vector.broadcast %sub3A_913 : i32 to vector<1x128xi32>
    %min3A_925 = arith.minsi %add3A_923, %min3A_924 : vector<1x128xi32>
    %add3A_926 = vector.broadcast %add3A_175 : i32 to vector<1x128xi32>
    %add3A_927 = arith.addi %add3A_926, %min3A_925 : vector<1x128xi32>
    %max3A_928 = arith.constant 0 : i32
    %max3A_929 = vector.broadcast %max3A_928 : i32 to vector<1x128xi32>
    %max3A_930 = arith.maxsi %add3A_927, %max3A_929 : vector<1x128xi32>
    %shift_right_arithmetic3A_931 = arith.constant 2 : i32
    %shift_right_arithmetic3A_932 = vector.broadcast %shift_right_arithmetic3A_931 : i32 to vector<1x128xi32>
    %shift_right_arithmetic3A_933 = arith.shrsi %max3A_920, %shift_right_arithmetic3A_932 : vector<1x128xi32>
    %swap3A_934 = arith.constant 11 : index
    %swap3A_935 = arith.constant 0 : index
    %swap3A_936 = vector.load %arg6[%swap3A_934, %swap3A_935] : memref<32x128xi32, #tpu.memory_space<vmem>>, vector<1x128xi32>
    tpu.vector_store %arg6[%swap3A_934, %swap3A_935], %shift_right_arithmetic3A_933 {strides = array<i32>} : memref<32x128xi32, #tpu.memory_space<vmem>>, vector<1x128xi32>,
    %shift_right_arithmetic3A_937 = arith.constant 2 : i32
    %shift_right_arithmetic3A_938 = vector.broadcast %shift_right_arithmetic3A_937 : i32 to vector<1x128xi32>
    %shift_right_arithmetic3A_939 = arith.shrsi %max3A_930, %shift_right_arithmetic3A_938 : vector<1x128xi32>
    %swap3A_940 = arith.constant 27 : index
    %swap3A_941 = arith.constant 0 : index
    %swap3A_942 = vector.load %arg6[%swap3A_940, %swap3A_941] : memref<32x128xi32, #tpu.memory_space<vmem>>, vector<1x128xi32>
    tpu.vector_store %arg6[%swap3A_940, %swap3A_941], %shift_right_arithmetic3A_939 {strides = array<i32>} : memref<32x128xi32, #tpu.memory_space<vmem>>, vector<1x128xi32>,
    %and3A_943 = arith.constant 3 : i32
    %and3A_944 = vector.broadcast %and3A_943 : i32 to vector<1x128xi32>
    %and3A_945 = arith.andi %max3A_920, %and3A_944 : vector<1x128xi32>
    %swap3A_946 = arith.constant 11 : index
    %swap3A_947 = arith.constant 0 : index
    %swap3A_948 = vector.load %arg7[%swap3A_946, %swap3A_947] : memref<32x128xi32, #tpu.memory_space<vmem>>, vector<1x128xi32>
    tpu.vector_store %arg7[%swap3A_946, %swap3A_947], %and3A_945 {strides = array<i32>} : memref<32x128xi32, #tpu.memory_space<vmem>>, vector<1x128xi32>,
    %and3A_949 = arith.constant 3 : i32
    %and3A_950 = vector.broadcast %and3A_949 : i32 to vector<1x128xi32>
    %and3A_951 = arith.andi %max3A_930, %and3A_950 : vector<1x128xi32>
    %swap3A_952 = arith.constant 27 : index
    %swap3A_953 = arith.constant 0 : index
    %swap3A_954 = vector.load %arg7[%swap3A_952, %swap3A_953] : memref<32x128xi32, #tpu.memory_space<vmem>>, vector<1x128xi32>
    tpu.vector_store %arg7[%swap3A_952, %swap3A_953], %and3A_951 {strides = array<i32>} : memref<32x128xi32, #tpu.memory_space<vmem>>, vector<1x128xi32>,
    %swap3A_955 = arith.constant 11 : index
    %swap3A_956 = arith.constant 0 : index
    %swap3A_957 = vector.load %arg8[%swap3A_955, %swap3A_956] : memref<16x128xf32, #tpu.memory_space<vmem>>, vector<1x128xf32>
    tpu.vector_store %arg8[%swap3A_955, %swap3A_956], %sub3A_910 {strides = array<i32>} : memref<16x128xf32, #tpu.memory_space<vmem>>, vector<1x128xf32>,
    %eq3A_958 = arith.constant 1 : i32
    %eq3A_959 = arith.cmpi eq, %reduce_sum3A_136, %eq3A_958 : i32
    %jit3A_960 = arith.constant 2 : i32
    %select_n3A_961 = arith.select %eq3A_959, %jit3A_960, %reduce_sum3A_136 : i32
    %sub3A_962 = arith.constant 1 : i32
    %sub3A_963 = arith.subi %select_n3A_961, %sub3A_962 : i32
    %convert_element_type3A_964 = arith.sitofp %sub3A_963 : i32 to f32
    %mul3A_965 = vector.broadcast %convert_element_type3A_964 : f32 to vector<1x128xf32>
    %mul3A_966 = arith.mulf %mul3A_266, %mul3A_965 : vector<1x128xf32>
    %floor3A_967 = math.floor %mul3A_966 : vector<1x128xf32>
    %sub3A_968 = arith.subf %mul3A_966, %floor3A_967 : vector<1x128xf32>
    %convert_element_type3A_969 = arith.fptosi %floor3A_967 : vector<1x128xf32> to vector<1x128xi32>
    %sub3A_970 = arith.constant 1 : i32
    %sub3A_971 = arith.subi %reduce_sum3A_136, %sub3A_970 : i32
    %min3A_972 = vector.broadcast %sub3A_971 : i32 to vector<1x128xi32>
    %min3A_973 = arith.minsi %convert_element_type3A_969, %min3A_972 : vector<1x128xi32>
    %add3A_974 = vector.broadcast %add3A_176 : i32 to vector<1x128xi32>
    %add3A_975 = arith.addi %add3A_974, %min3A_973 : vector<1x128xi32>
    %max3A_976 = arith.constant 0 : i32
    %max3A_977 = vector.broadcast %max3A_976 : i32 to vector<1x128xi32>
    %max3A_978 = arith.maxsi %add3A_975, %max3A_977 : vector<1x128xi32>
    %add3A_979 = arith.constant 1 : i32
    %add3A_980 = vector.broadcast %add3A_979 : i32 to vector<1x128xi32>
    %add3A_981 = arith.addi %convert_element_type3A_969, %add3A_980 : vector<1x128xi32>
    %min3A_982 = vector.broadcast %sub3A_971 : i32 to vector<1x128xi32>
    %min3A_983 = arith.minsi %add3A_981, %min3A_982 : vector<1x128xi32>
    %add3A_984 = vector.broadcast %add3A_176 : i32 to vector<1x128xi32>
    %add3A_985 = arith.addi %add3A_984, %min3A_983 : vector<1x128xi32>
    %max3A_986 = arith.constant 0 : i32
    %max3A_987 = vector.broadcast %max3A_986 : i32 to vector<1x128xi32>
    %max3A_988 = arith.maxsi %add3A_985, %max3A_987 : vector<1x128xi32>
    %shift_right_arithmetic3A_989 = arith.constant 2 : i32
    %shift_right_arithmetic3A_990 = vector.broadcast %shift_right_arithmetic3A_989 : i32 to vector<1x128xi32>
    %shift_right_arithmetic3A_991 = arith.shrsi %max3A_978, %shift_right_arithmetic3A_990 : vector<1x128xi32>
    %swap3A_992 = arith.constant 12 : index
    %swap3A_993 = arith.constant 0 : index
    %swap3A_994 = vector.load %arg6[%swap3A_992, %swap3A_993] : memref<32x128xi32, #tpu.memory_space<vmem>>, vector<1x128xi32>
    tpu.vector_store %arg6[%swap3A_992, %swap3A_993], %shift_right_arithmetic3A_991 {strides = array<i32>} : memref<32x128xi32, #tpu.memory_space<vmem>>, vector<1x128xi32>,
    %shift_right_arithmetic3A_995 = arith.constant 2 : i32
    %shift_right_arithmetic3A_996 = vector.broadcast %shift_right_arithmetic3A_995 : i32 to vector<1x128xi32>
    %shift_right_arithmetic3A_997 = arith.shrsi %max3A_988, %shift_right_arithmetic3A_996 : vector<1x128xi32>
    %swap3A_998 = arith.constant 28 : index
    %swap3A_999 = arith.constant 0 : index
    %swap3A_1000 = vector.load %arg6[%swap3A_998, %swap3A_999] : memref<32x128xi32, #tpu.memory_space<vmem>>, vector<1x128xi32>
    tpu.vector_store %arg6[%swap3A_998, %swap3A_999], %shift_right_arithmetic3A_997 {strides = array<i32>} : memref<32x128xi32, #tpu.memory_space<vmem>>, vector<1x128xi32>,
    %and3A_1001 = arith.constant 3 : i32
    %and3A_1002 = vector.broadcast %and3A_1001 : i32 to vector<1x128xi32>
    %and3A_1003 = arith.andi %max3A_978, %and3A_1002 : vector<1x128xi32>
    %swap3A_1004 = arith.constant 12 : index
    %swap3A_1005 = arith.constant 0 : index
    %swap3A_1006 = vector.load %arg7[%swap3A_1004, %swap3A_1005] : memref<32x128xi32, #tpu.memory_space<vmem>>, vector<1x128xi32>
    tpu.vector_store %arg7[%swap3A_1004, %swap3A_1005], %and3A_1003 {strides = array<i32>} : memref<32x128xi32, #tpu.memory_space<vmem>>, vector<1x128xi32>,
    %and3A_1007 = arith.constant 3 : i32
    %and3A_1008 = vector.broadcast %and3A_1007 : i32 to vector<1x128xi32>
    %and3A_1009 = arith.andi %max3A_988, %and3A_1008 : vector<1x128xi32>
    %swap3A_1010 = arith.constant 28 : index
    %swap3A_1011 = arith.constant 0 : index
    %swap3A_1012 = vector.load %arg7[%swap3A_1010, %swap3A_1011] : memref<32x128xi32, #tpu.memory_space<vmem>>, vector<1x128xi32>
    tpu.vector_store %arg7[%swap3A_1010, %swap3A_1011], %and3A_1009 {strides = array<i32>} : memref<32x128xi32, #tpu.memory_space<vmem>>, vector<1x128xi32>,
    %swap3A_1013 = arith.constant 12 : index
    %swap3A_1014 = arith.constant 0 : index
    %swap3A_1015 = vector.load %arg8[%swap3A_1013, %swap3A_1014] : memref<16x128xf32, #tpu.memory_space<vmem>>, vector<1x128xf32>
    tpu.vector_store %arg8[%swap3A_1013, %swap3A_1014], %sub3A_968 {strides = array<i32>} : memref<16x128xf32, #tpu.memory_space<vmem>>, vector<1x128xf32>,
    %eq3A_1016 = arith.constant 1 : i32
    %eq3A_1017 = arith.cmpi eq, %reduce_sum3A_145, %eq3A_1016 : i32
    %jit3A_1018 = arith.constant 2 : i32
    %select_n3A_1019 = arith.select %eq3A_1017, %jit3A_1018, %reduce_sum3A_145 : i32
    %sub3A_1020 = arith.constant 1 : i32
    %sub3A_1021 = arith.subi %select_n3A_1019, %sub3A_1020 : i32
    %convert_element_type3A_1022 = arith.sitofp %sub3A_1021 : i32 to f32
    %mul3A_1023 = vector.broadcast %convert_element_type3A_1022 : f32 to vector<1x128xf32>
    %mul3A_1024 = arith.mulf %mul3A_266, %mul3A_1023 : vector<1x128xf32>
    %floor3A_1025 = math.floor %mul3A_1024 : vector<1x128xf32>
    %sub3A_1026 = arith.subf %mul3A_1024, %floor3A_1025 : vector<1x128xf32>
    %convert_element_type3A_1027 = arith.fptosi %floor3A_1025 : vector<1x128xf32> to vector<1x128xi32>
    %sub3A_1028 = arith.constant 1 : i32
    %sub3A_1029 = arith.subi %reduce_sum3A_145, %sub3A_1028 : i32
    %min3A_1030 = vector.broadcast %sub3A_1029 : i32 to vector<1x128xi32>
    %min3A_1031 = arith.minsi %convert_element_type3A_1027, %min3A_1030 : vector<1x128xi32>
    %add3A_1032 = vector.broadcast %add3A_177 : i32 to vector<1x128xi32>
    %add3A_1033 = arith.addi %add3A_1032, %min3A_1031 : vector<1x128xi32>
    %max3A_1034 = arith.constant 0 : i32
    %max3A_1035 = vector.broadcast %max3A_1034 : i32 to vector<1x128xi32>
    %max3A_1036 = arith.maxsi %add3A_1033, %max3A_1035 : vector<1x128xi32>
    %add3A_1037 = arith.constant 1 : i32
    %add3A_1038 = vector.broadcast %add3A_1037 : i32 to vector<1x128xi32>
    %add3A_1039 = arith.addi %convert_element_type3A_1027, %add3A_1038 : vector<1x128xi32>
    %min3A_1040 = vector.broadcast %sub3A_1029 : i32 to vector<1x128xi32>
    %min3A_1041 = arith.minsi %add3A_1039, %min3A_1040 : vector<1x128xi32>
    %add3A_1042 = vector.broadcast %add3A_177 : i32 to vector<1x128xi32>
    %add3A_1043 = arith.addi %add3A_1042, %min3A_1041 : vector<1x128xi32>
    %max3A_1044 = arith.constant 0 : i32
    %max3A_1045 = vector.broadcast %max3A_1044 : i32 to vector<1x128xi32>
    %max3A_1046 = arith.maxsi %add3A_1043, %max3A_1045 : vector<1x128xi32>
    %shift_right_arithmetic3A_1047 = arith.constant 2 : i32
    %shift_right_arithmetic3A_1048 = vector.broadcast %shift_right_arithmetic3A_1047 : i32 to vector<1x128xi32>
    %shift_right_arithmetic3A_1049 = arith.shrsi %max3A_1036, %shift_right_arithmetic3A_1048 : vector<1x128xi32>
    %swap3A_1050 = arith.constant 13 : index
    %swap3A_1051 = arith.constant 0 : index
    %swap3A_1052 = vector.load %arg6[%swap3A_1050, %swap3A_1051] : memref<32x128xi32, #tpu.memory_space<vmem>>, vector<1x128xi32>
    tpu.vector_store %arg6[%swap3A_1050, %swap3A_1051], %shift_right_arithmetic3A_1049 {strides = array<i32>} : memref<32x128xi32, #tpu.memory_space<vmem>>, vector<1x128xi32>,
    %shift_right_arithmetic3A_1053 = arith.constant 2 : i32
    %shift_right_arithmetic3A_1054 = vector.broadcast %shift_right_arithmetic3A_1053 : i32 to vector<1x128xi32>
    %shift_right_arithmetic3A_1055 = arith.shrsi %max3A_1046, %shift_right_arithmetic3A_1054 : vector<1x128xi32>
    %swap3A_1056 = arith.constant 29 : index
    %swap3A_1057 = arith.constant 0 : index
    %swap3A_1058 = vector.load %arg6[%swap3A_1056, %swap3A_1057] : memref<32x128xi32, #tpu.memory_space<vmem>>, vector<1x128xi32>
    tpu.vector_store %arg6[%swap3A_1056, %swap3A_1057], %shift_right_arithmetic3A_1055 {strides = array<i32>} : memref<32x128xi32, #tpu.memory_space<vmem>>, vector<1x128xi32>,
    %and3A_1059 = arith.constant 3 : i32
    %and3A_1060 = vector.broadcast %and3A_1059 : i32 to vector<1x128xi32>
    %and3A_1061 = arith.andi %max3A_1036, %and3A_1060 : vector<1x128xi32>
    %swap3A_1062 = arith.constant 13 : index
    %swap3A_1063 = arith.constant 0 : index
    %swap3A_1064 = vector.load %arg7[%swap3A_1062, %swap3A_1063] : memref<32x128xi32, #tpu.memory_space<vmem>>, vector<1x128xi32>
    tpu.vector_store %arg7[%swap3A_1062, %swap3A_1063], %and3A_1061 {strides = array<i32>} : memref<32x128xi32, #tpu.memory_space<vmem>>, vector<1x128xi32>,
    %and3A_1065 = arith.constant 3 : i32
    %and3A_1066 = vector.broadcast %and3A_1065 : i32 to vector<1x128xi32>
    %and3A_1067 = arith.andi %max3A_1046, %and3A_1066 : vector<1x128xi32>
    %swap3A_1068 = arith.constant 29 : index
    %swap3A_1069 = arith.constant 0 : index
    %swap3A_1070 = vector.load %arg7[%swap3A_1068, %swap3A_1069] : memref<32x128xi32, #tpu.memory_space<vmem>>, vector<1x128xi32>
    tpu.vector_store %arg7[%swap3A_1068, %swap3A_1069], %and3A_1067 {strides = array<i32>} : memref<32x128xi32, #tpu.memory_space<vmem>>, vector<1x128xi32>,
    %swap3A_1071 = arith.constant 13 : index
    %swap3A_1072 = arith.constant 0 : index
    %swap3A_1073 = vector.load %arg8[%swap3A_1071, %swap3A_1072] : memref<16x128xf32, #tpu.memory_space<vmem>>, vector<1x128xf32>
    tpu.vector_store %arg8[%swap3A_1071, %swap3A_1072], %sub3A_1026 {strides = array<i32>} : memref<16x128xf32, #tpu.memory_space<vmem>>, vector<1x128xf32>,
    %eq3A_1074 = arith.constant 1 : i32
    %eq3A_1075 = arith.cmpi eq, %reduce_sum3A_154, %eq3A_1074 : i32
    %jit3A_1076 = arith.constant 2 : i32
    %select_n3A_1077 = arith.select %eq3A_1075, %jit3A_1076, %reduce_sum3A_154 : i32
    %sub3A_1078 = arith.constant 1 : i32
    %sub3A_1079 = arith.subi %select_n3A_1077, %sub3A_1078 : i32
    %convert_element_type3A_1080 = arith.sitofp %sub3A_1079 : i32 to f32
    %mul3A_1081 = vector.broadcast %convert_element_type3A_1080 : f32 to vector<1x128xf32>
    %mul3A_1082 = arith.mulf %mul3A_266, %mul3A_1081 : vector<1x128xf32>
    %floor3A_1083 = math.floor %mul3A_1082 : vector<1x128xf32>
    %sub3A_1084 = arith.subf %mul3A_1082, %floor3A_1083 : vector<1x128xf32>
    %convert_element_type3A_1085 = arith.fptosi %floor3A_1083 : vector<1x128xf32> to vector<1x128xi32>
    %sub3A_1086 = arith.constant 1 : i32
    %sub3A_1087 = arith.subi %reduce_sum3A_154, %sub3A_1086 : i32
    %min3A_1088 = vector.broadcast %sub3A_1087 : i32 to vector<1x128xi32>
    %min3A_1089 = arith.minsi %convert_element_type3A_1085, %min3A_1088 : vector<1x128xi32>
    %add3A_1090 = vector.broadcast %add3A_178 : i32 to vector<1x128xi32>
    %add3A_1091 = arith.addi %add3A_1090, %min3A_1089 : vector<1x128xi32>
    %max3A_1092 = arith.constant 0 : i32
    %max3A_1093 = vector.broadcast %max3A_1092 : i32 to vector<1x128xi32>
    %max3A_1094 = arith.maxsi %add3A_1091, %max3A_1093 : vector<1x128xi32>
    %add3A_1095 = arith.constant 1 : i32
    %add3A_1096 = vector.broadcast %add3A_1095 : i32 to vector<1x128xi32>
    %add3A_1097 = arith.addi %convert_element_type3A_1085, %add3A_1096 : vector<1x128xi32>
    %min3A_1098 = vector.broadcast %sub3A_1087 : i32 to vector<1x128xi32>
    %min3A_1099 = arith.minsi %add3A_1097, %min3A_1098 : vector<1x128xi32>
    %add3A_1100 = vector.broadcast %add3A_178 : i32 to vector<1x128xi32>
    %add3A_1101 = arith.addi %add3A_1100, %min3A_1099 : vector<1x128xi32>
    %max3A_1102 = arith.constant 0 : i32
    %max3A_1103 = vector.broadcast %max3A_1102 : i32 to vector<1x128xi32>
    %max3A_1104 = arith.maxsi %add3A_1101, %max3A_1103 : vector<1x128xi32>
    %shift_right_arithmetic3A_1105 = arith.constant 2 : i32
    %shift_right_arithmetic3A_1106 = vector.broadcast %shift_right_arithmetic3A_1105 : i32 to vector<1x128xi32>
    %shift_right_arithmetic3A_1107 = arith.shrsi %max3A_1094, %shift_right_arithmetic3A_1106 : vector<1x128xi32>
    %swap3A_1108 = arith.constant 14 : index
    %swap3A_1109 = arith.constant 0 : index
    %swap3A_1110 = vector.load %arg6[%swap3A_1108, %swap3A_1109] : memref<32x128xi32, #tpu.memory_space<vmem>>, vector<1x128xi32>
    tpu.vector_store %arg6[%swap3A_1108, %swap3A_1109], %shift_right_arithmetic3A_1107 {strides = array<i32>} : memref<32x128xi32, #tpu.memory_space<vmem>>, vector<1x128xi32>,
    %shift_right_arithmetic3A_1111 = arith.constant 2 : i32
    %shift_right_arithmetic3A_1112 = vector.broadcast %shift_right_arithmetic3A_1111 : i32 to vector<1x128xi32>
    %shift_right_arithmetic3A_1113 = arith.shrsi %max3A_1104, %shift_right_arithmetic3A_1112 : vector<1x128xi32>
    %swap3A_1114 = arith.constant 30 : index
    %swap3A_1115 = arith.constant 0 : index
    %swap3A_1116 = vector.load %arg6[%swap3A_1114, %swap3A_1115] : memref<32x128xi32, #tpu.memory_space<vmem>>, vector<1x128xi32>
    tpu.vector_store %arg6[%swap3A_1114, %swap3A_1115], %shift_right_arithmetic3A_1113 {strides = array<i32>} : memref<32x128xi32, #tpu.memory_space<vmem>>, vector<1x128xi32>,
    %and3A_1117 = arith.constant 3 : i32
    %and3A_1118 = vector.broadcast %and3A_1117 : i32 to vector<1x128xi32>
    %and3A_1119 = arith.andi %max3A_1094, %and3A_1118 : vector<1x128xi32>
    %swap3A_1120 = arith.constant 14 : index
    %swap3A_1121 = arith.constant 0 : index
    %swap3A_1122 = vector.load %arg7[%swap3A_1120, %swap3A_1121] : memref<32x128xi32, #tpu.memory_space<vmem>>, vector<1x128xi32>
    tpu.vector_store %arg7[%swap3A_1120, %swap3A_1121], %and3A_1119 {strides = array<i32>} : memref<32x128xi32, #tpu.memory_space<vmem>>, vector<1x128xi32>,
    %and3A_1123 = arith.constant 3 : i32
    %and3A_1124 = vector.broadcast %and3A_1123 : i32 to vector<1x128xi32>
    %and3A_1125 = arith.andi %max3A_1104, %and3A_1124 : vector<1x128xi32>
    %swap3A_1126 = arith.constant 30 : index
    %swap3A_1127 = arith.constant 0 : index
    %swap3A_1128 = vector.load %arg7[%swap3A_1126, %swap3A_1127] : memref<32x128xi32, #tpu.memory_space<vmem>>, vector<1x128xi32>
    tpu.vector_store %arg7[%swap3A_1126, %swap3A_1127], %and3A_1125 {strides = array<i32>} : memref<32x128xi32, #tpu.memory_space<vmem>>, vector<1x128xi32>,
    %swap3A_1129 = arith.constant 14 : index
    %swap3A_1130 = arith.constant 0 : index
    %swap3A_1131 = vector.load %arg8[%swap3A_1129, %swap3A_1130] : memref<16x128xf32, #tpu.memory_space<vmem>>, vector<1x128xf32>
    tpu.vector_store %arg8[%swap3A_1129, %swap3A_1130], %sub3A_1084 {strides = array<i32>} : memref<16x128xf32, #tpu.memory_space<vmem>>, vector<1x128xf32>,
    %eq3A_1132 = arith.constant 1 : i32
    %eq3A_1133 = arith.cmpi eq, %reduce_sum3A_163, %eq3A_1132 : i32
    %jit3A_1134 = arith.constant 2 : i32
    %select_n3A_1135 = arith.select %eq3A_1133, %jit3A_1134, %reduce_sum3A_163 : i32
    %sub3A_1136 = arith.constant 1 : i32
    %sub3A_1137 = arith.subi %select_n3A_1135, %sub3A_1136 : i32
    %convert_element_type3A_1138 = arith.sitofp %sub3A_1137 : i32 to f32
    %mul3A_1139 = vector.broadcast %convert_element_type3A_1138 : f32 to vector<1x128xf32>
    %mul3A_1140 = arith.mulf %mul3A_266, %mul3A_1139 : vector<1x128xf32>
    %floor3A_1141 = math.floor %mul3A_1140 : vector<1x128xf32>
    %sub3A_1142 = arith.subf %mul3A_1140, %floor3A_1141 : vector<1x128xf32>
    %convert_element_type3A_1143 = arith.fptosi %floor3A_1141 : vector<1x128xf32> to vector<1x128xi32>
    %sub3A_1144 = arith.constant 1 : i32
    %sub3A_1145 = arith.subi %reduce_sum3A_163, %sub3A_1144 : i32
    %min3A_1146 = vector.broadcast %sub3A_1145 : i32 to vector<1x128xi32>
    %min3A_1147 = arith.minsi %convert_element_type3A_1143, %min3A_1146 : vector<1x128xi32>
    %add3A_1148 = vector.broadcast %add3A_179 : i32 to vector<1x128xi32>
    %add3A_1149 = arith.addi %add3A_1148, %min3A_1147 : vector<1x128xi32>
    %max3A_1150 = arith.constant 0 : i32
    %max3A_1151 = vector.broadcast %max3A_1150 : i32 to vector<1x128xi32>
    %max3A_1152 = arith.maxsi %add3A_1149, %max3A_1151 : vector<1x128xi32>
    %add3A_1153 = arith.constant 1 : i32
    %add3A_1154 = vector.broadcast %add3A_1153 : i32 to vector<1x128xi32>
    %add3A_1155 = arith.addi %convert_element_type3A_1143, %add3A_1154 : vector<1x128xi32>
    %min3A_1156 = vector.broadcast %sub3A_1145 : i32 to vector<1x128xi32>
    %min3A_1157 = arith.minsi %add3A_1155, %min3A_1156 : vector<1x128xi32>
    %add3A_1158 = vector.broadcast %add3A_179 : i32 to vector<1x128xi32>
    %add3A_1159 = arith.addi %add3A_1158, %min3A_1157 : vector<1x128xi32>
    %max3A_1160 = arith.constant 0 : i32
    %max3A_1161 = vector.broadcast %max3A_1160 : i32 to vector<1x128xi32>
    %max3A_1162 = arith.maxsi %add3A_1159, %max3A_1161 : vector<1x128xi32>
    %shift_right_arithmetic3A_1163 = arith.constant 2 : i32
    %shift_right_arithmetic3A_1164 = vector.broadcast %shift_right_arithmetic3A_1163 : i32 to vector<1x128xi32>
    %shift_right_arithmetic3A_1165 = arith.shrsi %max3A_1152, %shift_right_arithmetic3A_1164 : vector<1x128xi32>
    %swap3A_1166 = arith.constant 15 : index
    %swap3A_1167 = arith.constant 0 : index
    %swap3A_1168 = vector.load %arg6[%swap3A_1166, %swap3A_1167] : memref<32x128xi32, #tpu.memory_space<vmem>>, vector<1x128xi32>
    tpu.vector_store %arg6[%swap3A_1166, %swap3A_1167], %shift_right_arithmetic3A_1165 {strides = array<i32>} : memref<32x128xi32, #tpu.memory_space<vmem>>, vector<1x128xi32>,
    %shift_right_arithmetic3A_1169 = arith.constant 2 : i32
    %shift_right_arithmetic3A_1170 = vector.broadcast %shift_right_arithmetic3A_1169 : i32 to vector<1x128xi32>
    %shift_right_arithmetic3A_1171 = arith.shrsi %max3A_1162, %shift_right_arithmetic3A_1170 : vector<1x128xi32>
    %swap3A_1172 = arith.constant 31 : index
    %swap3A_1173 = arith.constant 0 : index
    %swap3A_1174 = vector.load %arg6[%swap3A_1172, %swap3A_1173] : memref<32x128xi32, #tpu.memory_space<vmem>>, vector<1x128xi32>
    tpu.vector_store %arg6[%swap3A_1172, %swap3A_1173], %shift_right_arithmetic3A_1171 {strides = array<i32>} : memref<32x128xi32, #tpu.memory_space<vmem>>, vector<1x128xi32>,
    %and3A_1175 = arith.constant 3 : i32
    %and3A_1176 = vector.broadcast %and3A_1175 : i32 to vector<1x128xi32>
    %and3A_1177 = arith.andi %max3A_1152, %and3A_1176 : vector<1x128xi32>
    %swap3A_1178 = arith.constant 15 : index
    %swap3A_1179 = arith.constant 0 : index
    %swap3A_1180 = vector.load %arg7[%swap3A_1178, %swap3A_1179] : memref<32x128xi32, #tpu.memory_space<vmem>>, vector<1x128xi32>
    tpu.vector_store %arg7[%swap3A_1178, %swap3A_1179], %and3A_1177 {strides = array<i32>} : memref<32x128xi32, #tpu.memory_space<vmem>>, vector<1x128xi32>,
    %and3A_1181 = arith.constant 3 : i32
    %and3A_1182 = vector.broadcast %and3A_1181 : i32 to vector<1x128xi32>
    %and3A_1183 = arith.andi %max3A_1162, %and3A_1182 : vector<1x128xi32>
    %swap3A_1184 = arith.constant 31 : index
    %swap3A_1185 = arith.constant 0 : index
    %swap3A_1186 = vector.load %arg7[%swap3A_1184, %swap3A_1185] : memref<32x128xi32, #tpu.memory_space<vmem>>, vector<1x128xi32>
    tpu.vector_store %arg7[%swap3A_1184, %swap3A_1185], %and3A_1183 {strides = array<i32>} : memref<32x128xi32, #tpu.memory_space<vmem>>, vector<1x128xi32>,
    %swap3A_1187 = arith.constant 15 : index
    %swap3A_1188 = arith.constant 0 : index
    %swap3A_1189 = vector.load %arg8[%swap3A_1187, %swap3A_1188] : memref<16x128xf32, #tpu.memory_space<vmem>>, vector<1x128xf32>
    tpu.vector_store %arg8[%swap3A_1187, %swap3A_1188], %sub3A_1142 {strides = array<i32>} : memref<16x128xf32, #tpu.memory_space<vmem>>, vector<1x128xf32>,
    return
  }
}

module attributes {stable_mosaic.version = 14 : i64} {
  func.func @_finish_body(%arg0: memref<4096x128xf32, #tpu.memory_space<vmem>>, %arg1: memref<4096x1xi32, #tpu.memory_space<vmem>>, %arg2: memref<2048x1xf32, #tpu.memory_space<vmem>>, %arg3: memref<1x32xf32, #tpu.memory_space<vmem>>, %arg4: memref<1x32xf32, #tpu.memory_space<vmem>>, %arg5: memref<128x32xf32, #tpu.memory_space<vmem>>, %arg6: memref<128x32xf32, #tpu.memory_space<vmem>>, %arg7: memref<16x32xf32, #tpu.memory_space<vmem>>) attributes {dimension_semantics = [], scalar_prefetch = 0 : i64, scratch_operands = 0 : i64, tpu.core_type = #tpu.core_type<tc>} {
    %get3A = arith.constant 0 : index
    %get3A_0 = arith.constant 0 : index
    %get3A_1 = vector.load %arg0[%get3A, %get3A_0] : memref<4096x128xf32, #tpu.memory_space<vmem>>, vector<4096x128xf32>
    %get3A_2 = arith.constant 0 : index
    %get3A_3 = arith.constant 0 : index
    %get3A_4 = vector.load %arg1[%get3A_2, %get3A_3] : memref<4096x1xi32, #tpu.memory_space<vmem>>, vector<4096x1xi32>
    %broadcast_in_dim3A = arith.constant 0.000000e+00 : f32
    %broadcast_in_dim3A_5 = vector.broadcast %broadcast_in_dim3A : f32 to vector<4096x32xf32>
    %eq3A = arith.constant 0 : i32
    %eq3A_6 = vector.broadcast %eq3A : i32 to vector<4096x1xi32>
    %eq3A_7 = arith.cmpi eq, %get3A_4, %eq3A_6 : vector<4096x1xi32>
    %slice3A = vector.extract_strided_slice %get3A_1 {offsets = [0, 0], sizes = [4096, 32], strides = [1, 1]} : vector<4096x128xf32> to vector<4096x32xf32>
    %jit3A = arith.constant 0.000000e+00 : f32
    %broadcast_in_dim3A_8 = vector.shape_cast %eq3A_7 : vector<4096x1xi1> to vector<4096x1xi1>
    %broadcast_in_dim3A_9 = vector.broadcast %broadcast_in_dim3A_8 : vector<4096x1xi1> to vector<4096x32xi1>
    %broadcast_in_dim3A_10 = vector.broadcast %jit3A : f32 to vector<4096x32xf32>
    %select_n3A = arith.select %broadcast_in_dim3A_9, %slice3A, %broadcast_in_dim3A_10 : vector<4096x32xi1>, vector<4096x32xf32>
    %add3A = arith.addf %broadcast_in_dim3A_5, %select_n3A : vector<4096x32xf32>
    %eq3A_11 = arith.constant 1 : i32
    %eq3A_12 = vector.broadcast %eq3A_11 : i32 to vector<4096x1xi32>
    %eq3A_13 = arith.cmpi eq, %get3A_4, %eq3A_12 : vector<4096x1xi32>
    %slice3A_14 = vector.extract_strided_slice %get3A_1 {offsets = [0, 32], sizes = [4096, 32], strides = [1, 1]} : vector<4096x128xf32> to vector<4096x32xf32>
    %jit3A_15 = arith.constant 0.000000e+00 : f32
    %broadcast_in_dim3A_16 = vector.shape_cast %eq3A_13 : vector<4096x1xi1> to vector<4096x1xi1>
    %broadcast_in_dim3A_17 = vector.broadcast %broadcast_in_dim3A_16 : vector<4096x1xi1> to vector<4096x32xi1>
    %broadcast_in_dim3A_18 = vector.broadcast %jit3A_15 : f32 to vector<4096x32xf32>
    %select_n3A_19 = arith.select %broadcast_in_dim3A_17, %slice3A_14, %broadcast_in_dim3A_18 : vector<4096x32xi1>, vector<4096x32xf32>
    %add3A_20 = arith.addf %add3A, %select_n3A_19 : vector<4096x32xf32>
    %eq3A_21 = arith.constant 2 : i32
    %eq3A_22 = vector.broadcast %eq3A_21 : i32 to vector<4096x1xi32>
    %eq3A_23 = arith.cmpi eq, %get3A_4, %eq3A_22 : vector<4096x1xi32>
    %slice3A_24 = vector.extract_strided_slice %get3A_1 {offsets = [0, 64], sizes = [4096, 32], strides = [1, 1]} : vector<4096x128xf32> to vector<4096x32xf32>
    %jit3A_25 = arith.constant 0.000000e+00 : f32
    %broadcast_in_dim3A_26 = vector.shape_cast %eq3A_23 : vector<4096x1xi1> to vector<4096x1xi1>
    %broadcast_in_dim3A_27 = vector.broadcast %broadcast_in_dim3A_26 : vector<4096x1xi1> to vector<4096x32xi1>
    %broadcast_in_dim3A_28 = vector.broadcast %jit3A_25 : f32 to vector<4096x32xf32>
    %select_n3A_29 = arith.select %broadcast_in_dim3A_27, %slice3A_24, %broadcast_in_dim3A_28 : vector<4096x32xi1>, vector<4096x32xf32>
    %add3A_30 = arith.addf %add3A_20, %select_n3A_29 : vector<4096x32xf32>
    %eq3A_31 = arith.constant 3 : i32
    %eq3A_32 = vector.broadcast %eq3A_31 : i32 to vector<4096x1xi32>
    %eq3A_33 = arith.cmpi eq, %get3A_4, %eq3A_32 : vector<4096x1xi32>
    %slice3A_34 = vector.extract_strided_slice %get3A_1 {offsets = [0, 96], sizes = [4096, 32], strides = [1, 1]} : vector<4096x128xf32> to vector<4096x32xf32>
    %jit3A_35 = arith.constant 0.000000e+00 : f32
    %broadcast_in_dim3A_36 = vector.shape_cast %eq3A_33 : vector<4096x1xi1> to vector<4096x1xi1>
    %broadcast_in_dim3A_37 = vector.broadcast %broadcast_in_dim3A_36 : vector<4096x1xi1> to vector<4096x32xi1>
    %broadcast_in_dim3A_38 = vector.broadcast %jit3A_35 : f32 to vector<4096x32xf32>
    %select_n3A_39 = arith.select %broadcast_in_dim3A_37, %slice3A_34, %broadcast_in_dim3A_38 : vector<4096x32xi1>, vector<4096x32xf32>
    %add3A_40 = arith.addf %add3A_30, %select_n3A_39 : vector<4096x32xf32>
    %floor3A = math.floor %add3A_40 : vector<4096x32xf32>
    %sub3A = arith.subf %add3A_40, %floor3A : vector<4096x32xf32>
    %sub3A_41 = arith.constant 1.000000e-03 : f32
    %sub3A_42 = vector.broadcast %sub3A_41 : f32 to vector<4096x32xf32>
    %sub3A_43 = arith.subf %sub3A, %sub3A_42 : vector<4096x32xf32>
    %mul3A = arith.constant 1.00200403 : f32
    %mul3A_44 = vector.broadcast %mul3A : f32 to vector<4096x32xf32>
    %mul3A_45 = arith.mulf %sub3A_43, %mul3A_44 : vector<4096x32xf32>
    %get3A_46 = arith.constant 0 : index
    %get3A_47 = arith.constant 0 : index
    %get3A_48 = vector.load %arg4[%get3A_46, %get3A_47] : memref<1x32xf32, #tpu.memory_space<vmem>>, vector<1x32xf32>
    %mul3A_49 = vector.broadcast %get3A_48 : vector<1x32xf32> to vector<4096x32xf32>
    %mul3A_50 = arith.mulf %mul3A_45, %mul3A_49 : vector<4096x32xf32>
    %get3A_51 = arith.constant 0 : index
    %get3A_52 = arith.constant 0 : index
    %get3A_53 = vector.load %arg3[%get3A_51, %get3A_52] : memref<1x32xf32, #tpu.memory_space<vmem>>, vector<1x32xf32>
    %add3A_54 = vector.broadcast %get3A_53 : vector<1x32xf32> to vector<4096x32xf32>
    %add3A_55 = arith.addf %mul3A_50, %add3A_54 : vector<4096x32xf32>
    %slice3A_56 = vector.extract_strided_slice %add3A_55 {offsets = [0, 0], sizes = [2048, 32], strides = [1, 1]} : vector<4096x32xf32> to vector<2048x32xf32>
    %slice3A_57 = vector.extract_strided_slice %add3A_55 {offsets = [2048, 0], sizes = [2048, 32], strides = [1, 1]} : vector<4096x32xf32> to vector<2048x32xf32>
    %get3A_58 = arith.constant 0 : index
    %get3A_59 = arith.constant 0 : index
    %get3A_60 = vector.load %arg2[%get3A_58, %get3A_59] : memref<2048x1xf32, #tpu.memory_space<vmem>>, vector<2048x1xf32>
    %sub3A_61 = arith.subf %slice3A_57, %slice3A_56 : vector<2048x32xf32>
    %mul3A_62 = vector.broadcast %get3A_60 : vector<2048x1xf32> to vector<2048x32xf32>
    %mul3A_63 = arith.mulf %mul3A_62, %sub3A_61 : vector<2048x32xf32>
    %add3A_64 = arith.addf %slice3A_56, %mul3A_63 : vector<2048x32xf32>
    %get3A_65 = arith.constant 0 : index
    %get3A_66 = arith.constant 0 : index
    %get3A_67 = vector.load %arg5[%get3A_65, %get3A_66] : memref<128x32xf32, #tpu.memory_space<vmem>>, vector<128x32xf32>
    %get3A_68 = arith.constant 0 : index
    %get3A_69 = arith.constant 0 : index
    %get3A_70 = vector.load %arg6[%get3A_68, %get3A_69] : memref<128x32xf32, #tpu.memory_space<vmem>>, vector<128x32xf32>
    %mul3A_71 = arith.mulf %get3A_67, %get3A_70 : vector<128x32xf32>
    %reduce_sum3A = arith.constant dense<0.000000e+00> : vector<32xf32>
    %reduce_sum3A_72 = vector.multi_reduction <add>, %mul3A_71, %reduce_sum3A [0] : vector<128x32xf32> to vector<32xf32>
    %broadcast_in_dim3A_73 = vector.shape_cast %reduce_sum3A_72 : vector<32xf32> to vector<1x32xf32>
    %div3A = arith.constant 1.280000e+02 : f32
    %div3A_74 = vector.broadcast %div3A : f32 to vector<1x32xf32>
    %div3A_75 = arith.divf %broadcast_in_dim3A_73, %div3A_74 : vector<1x32xf32>
    %reshape3A = vector.shape_cast %add3A_64 : vector<2048x32xf32> to vector<16x128x32xf32>
    %broadcast_in_dim3A_76 = vector.shape_cast %get3A_67 : vector<128x32xf32> to vector<1x128x32xf32>
    %mul3A_77 = vector.broadcast %broadcast_in_dim3A_76 : vector<1x128x32xf32> to vector<16x128x32xf32>
    %mul3A_78 = arith.mulf %reshape3A, %mul3A_77 : vector<16x128x32xf32>
    %reduce_sum3A_79 = arith.constant dense<0.000000e+00> : vector<16x32xf32>
    %reduce_sum3A_80 = vector.multi_reduction <add>, %mul3A_78, %reduce_sum3A_79 [1] : vector<16x128x32xf32> to vector<16x32xf32>
    %mul3A_81 = arith.constant 7.812500e-03 : f32
    %mul3A_82 = vector.broadcast %mul3A_81 : f32 to vector<16x32xf32>
    %mul3A_83 = arith.mulf %reduce_sum3A_80, %mul3A_82 : vector<16x32xf32>
    %sub3A_84 = vector.broadcast %div3A_75 : vector<1x32xf32> to vector<16x32xf32>
    %sub3A_85 = arith.subf %sub3A_84, %mul3A_83 : vector<16x32xf32>
    %swap3A = arith.constant 0 : index
    %swap3A_86 = arith.constant 0 : index
    %swap3A_87 = vector.load %arg7[%swap3A, %swap3A_86] : memref<16x32xf32, #tpu.memory_space<vmem>>, vector<16x32xf32>
    tpu.vector_store %arg7[%swap3A, %swap3A_86], %sub3A_85 {strides = array<i32>} : memref<16x32xf32, #tpu.memory_space<vmem>>, vector<16x32xf32>,
    return
  }
}

</mosaic_0001>

<sc_bundles>
// kernel: kernel.5.cloned.1.call-start
scs
__scs_entry_jumppad:
0x0: {  	(pc) =	sbr.rel $0x88, $3  }
0x1: {  	(tag) =	ssettag $0x0;
	lr =	simm.s32 $0x1  }
0x2: {  	[smem:$0x3F9C] =	sst lr;
	_ =	strace $0xD0000000  }
0x3: {  	_ = 	snop  }
0x4: {  	_ = 	snop  }
0x5: {  	_ = 	snop  }
0x6: {  	_ = 	snop  }
0x7: {  	_ = 	snop  }
__scs_overlays_trampoline_lowered:
0x8: {  	[smem:$0x3FAB] =	sst s0  }
0x9: {  	[smem:$0x3FAC] =	sst s1  }
0xa: {  	[smem:$0x3FAD] =	sst s2  }
0xb: {  	[smem:$0x3FAE] =	sst s3  }
0xc: {  	[smem:$0x3FAF] =	sst s4  }
0xd: {  	[smem:$0x3FB0] =	sst s5  }
0xe: {  	[smem:$0x3FB1] =	sst s6  }
0xf: {  	[smem:$0x3FB2] =	sst s7  }
0x10: {  	[smem:$0x3FB3] =	sst s8  }
0x11: {  	[smem:$0x3FB4] =	sst s9;
	s0 =	simm.s32 @!p0 $0x0  }
0x12: {  	s1 =	sld [smem:$0x3F9A];
	s0 =	simm.s32 @p0 $0x1  }
0x13: {  	[smem:$0x3FB5] =	sst s0;
	s0 =	simm.s32 @!p1 $0x0  }
0x14: {  	s2 =	sld [smem:$0x3F99];
	s0 =	simm.s32 @p1 $0x1  }
0x15: {  	[smem:$0x3FB6] =	sst s0;
	s0 =	simm.s32 @!p2 $0x0  }
0x16: {  	s3 =	sld [smem:$0x3FDB];
	s0 =	simm.s32 @p2 $0x1  }
0x17: {  	s4 =	simm.s32 $0x1BF5;
	[smem:$0x3FB8] =	sst s0  }
0x18: {  	s0 =	sld [smem:$0x3F9B];
	_ =	swait.ge [sflag:s4], $0x0  }
0x19: {  	s7 =	sld [smem:$0x3F9C]  }
0x1a: {  	s8 =	sadd.s32 $0xFFFFE003, lr  }
0x1b: {  	s9 =	sadd.s32 $0xFFFFFEF7, lr;
	s5 =	simm.s32 $0xFFFFFFFF;
	p2 =	slt.u32 s8, $0xFFFFF086  }
0x1c: {  	p1 =	slt.u32 s9, $0xF7A;
	s5 =	simm.s32 @!p2 $0x0  }
0x1d: {  	s5 =	simm.s32 @p1 $0x1;
	p0 =	seq.s32 s7, s2  }
0x1e: {  	s7 =	smul.u32 @!p0 $0xF7A, s2;
	p2 =	seq.s32 @!p0 s5, $0x0  }
0x1f: {  	s9 =	smul.u32 $0xF7A, s1;
	s8 =	simm.s32 @!p0 $0x1BF5;
	p2 =	por !p2, p0  }
0x20: {  	[sflag:s8] =	ssyncset.s32 @!p0 $0xFFFFF086;
	s6 =	sadd.s32 @!p0 s3, s7;
	s7 =	simm.s32 @!p0 $0x108  }
0x21: {  	s3 =	sadd.s32 s3, s9;
	s6 =	sadd.s32 @!p0 $0x88, s6;
	s7 =	simm.s32 @p2 $0x1082  }
0x22: {  	[simem:s7], [sflag:s8] =	dma.local @!p0 [hbm:s6], $0xF7A  }
0x23: {  	s9 =	sor.u32 $0xD0000000, s2;
	s6 =	simm.s32 $0x108;
	_ =	swait.ge @!p0 [sflag:s8], $0x0  }
0x24: {  	s3 =	sadd.s32 $0x88, s3;
	s6 =	simm.s32 @!p1 $0x1082;
	[sflag:s4] =	ssyncset.s32 $0xFFFFF086  }
0x25: {  	[simem:s6], [sflag:s4] =	dma.local [hbm:s3], $0xF7A  }
0x26: {  	[smem:$0x3F9C] =	sst s1;
	(tag) =	ssettag s2;
	_ =	strace s9  }
0x27: {  	s1 =	sld [smem:$0x3FAC]  }
0x28: {  	s2 =	sld [smem:$0x3FAD]  }
0x29: {  	s4 =	sld [smem:$0x3FAF]  }
0x2a: {  	p0 =	seq.s32 s5, $0x0;
	s5 =	sld [smem:$0x3FB0]  }
0x2b: {  	s6 =	sld [smem:$0x3FB1]  }
0x2c: {  	s7 =	sld [smem:$0x3FB2]  }
0x2d: {  	s3 =	simm.s32 $0x108;
	s8 =	sld [smem:$0x3FB3]  }
0x2e: {  	s3 =	simm.s32 @!p0 $0x1082;
	s9 =	sld [smem:$0x3FB4]  }
0x2f: {  	lr =	sadd.s32 s0, s3;
	s0 =	sld [smem:$0x3FAB]  }
0x30: {  	s3 =	sld [smem:$0x3FAE]  }
0x31: {  	[smem:$0x3FB7] =	sst s10  }
0x32: {  	s10 =	sld [smem:$0x3FB5];
	_ =	sdelay $0x3  }
0x33: {  	p0 =	seq.s32 s10, $0x1;
	s10 =	sld [smem:$0x3FB7];
	_ =	sdelay $0x3  }
0x34: {  	[smem:$0x3FB7] =	sst s10  }
0x35: {  	s10 =	sld [smem:$0x3FB6];
	_ =	sdelay $0x3  }
0x36: {  	p1 =	seq.s32 s10, $0x1;
	s10 =	sld [smem:$0x3FB7];
	_ =	sdelay $0x3  }
0x37: {  	[smem:$0x3FB7] =	sst s10  }
0x38: {  	s10 =	sld [smem:$0x3FB8]  }
0x39: {  	_ = 	snop;
	(pc) =	sbr.ind lr, $3  }
0x3a: {  	_ = 	snop  }
0x3b: {  	_ = 	snop  }
0x3c: {  	p2 =	seq.s32 s10, $0x1;
	s10 =	sld [smem:$0x3FB7]  }
0x3d: {  	_ =	shalt  }
0x3e: {  	_ =	shalt  }
0x3f: {  	_ =	shalt  }
0x40: {  	_ =	shalt  }
0x41: {  	_ =	shalt  }
0x42: {  	_ =	shalt  }
0x43: {  	_ =	shalt  }
0x44: {  	_ =	shalt  }
0x45: {  	_ =	shalt  }
0x46: {  	_ =	shalt  }
0x47: {  	_ =	shalt  }
0x48: {  	_ =	shalt  }
0x49: {  	_ =	shalt  }
0x4a: {  	_ =	shalt  }
0x4b: {  	_ =	shalt  }
0x4c: {  	_ =	shalt  }
0x4d: {  	_ =	shalt  }
0x4e: {  	_ =	shalt  }
0x4f: {  	_ =	shalt  }
0x50: {  	_ =	shalt  }
0x51: {  	_ =	shalt  }
0x52: {  	_ =	shalt  }
0x53: {  	_ =	shalt  }
0x54: {  	_ =	shalt  }
0x55: {  	_ =	shalt  }
0x56: {  	_ =	shalt  }
0x57: {  	_ =	shalt  }
0x58: {  	_ =	shalt  }
0x59: {  	_ =	shalt  }
0x5a: {  	_ =	shalt  }
0x5b: {  	_ =	shalt  }
0x5c: {  	_ =	shalt  }
0x5d: {  	_ =	shalt  }
0x5e: {  	_ =	shalt  }
0x5f: {  	_ =	shalt  }
0x60: {  	_ =	shalt  }
0x61: {  	_ =	shalt  }
0x62: {  	_ =	shalt  }
0x63: {  	_ =	shalt  }
0x64: {  	_ =	shalt  }
0x65: {  	_ =	shalt  }
0x66: {  	_ =	shalt  }
0x67: {  	_ =	shalt  }
0x68: {  	_ =	shalt  }
0x69: {  	_ =	shalt  }
0x6a: {  	_ =	shalt  }
0x6b: {  	_ =	shalt  }
0x6c: {  	_ =	shalt  }
0x6d: {  	_ =	shalt  }
0x6e: {  	_ =	shalt  }
0x6f: {  	_ =	shalt  }
0x70: {  	_ =	shalt  }
0x71: {  	_ =	shalt  }
0x72: {  	_ =	shalt  }
0x73: {  	_ =	shalt  }
0x74: {  	_ =	shalt  }
0x75: {  	_ =	shalt  }
0x76: {  	_ =	shalt  }
0x77: {  	_ =	shalt  }
0x78: {  	_ =	shalt  }
0x79: {  	_ =	shalt  }
0x7a: {  	_ =	shalt  }
0x7b: {  	_ =	shalt  }
0x7c: {  	_ =	shalt  }
0x7d: {  	_ =	shalt  }
0x7e: {  	_ =	shalt  }
0x7f: {  	_ =	shalt  }
0x80: {  	_ =	shalt  }
0x81: {  	_ =	shalt  }
0x82: {  	_ =	shalt  }
0x83: {  	_ =	shalt  }
0x84: {  	_ =	shalt  }
0x85: {  	_ =	shalt  }
0x86: {  	_ =	shalt  }
0x87: {  	_ =	shalt  }
.Lfunc_end0:
.L_simem_size_0:
called_computation_lowered:
.L_overlay_start_0:
0x88: {  	s2 =	sld [smem:$0x3FD9]  }
0x89: {  	s3 =	sld [smem:$0x3FFE];
	_ =	sdelay $0x1  }
0x8a: {  	s1 =	srdreg.scid  }
0x8b: {  	s0 =	sand.u32 $0x1, s1  }
0x8c: {  	s16 =	sshll.u32 s0, $0xA;
	s2 =	sadd.s32 s3, s2  }
0x8d: {  	s2 =	sadd.s32 s2, s16  }
0x8e: {  	[smem:$0x3FC3] =	sst s2  }
0x8f: {  	_ = 	snop  }
0x90: {  	(tm) =	ssettm $0x1  }
0x91: {  	s17 =	sld [smem:$0x3FFB];
	_ =	sdelay $0x3  }
0x92: {  	_ =	strace s17  }
0x93: {  	s2 =	sld [smem:$0x3FFC];
	_ =	sdelay $0x3  }
0x94: {  	_ =	strace s2  }
0x95: {  	s2 =	sld [smem:$0x3FFD];
	_ =	sdelay $0x3  }
0x96: {  	_ =	strace s2  }
0x97: {  	_ =	strace $0x8FFFFFFF  }
0x98: {  	s18 =	sld [smem:$0x3FDB];
	_ =	sdelay $0x1  }
0x99: {  	s19 =	simm.s32 $_scs_section_size  }
0x9a: {  	s4 =	simm.s32 $_size__tile_overlayer_lowered;
	s5 =	simm.s32 $_tile_overlayer_lowered  }
0x9b: {  	s22 =	simm.s32 $0x1BFF;
	s21 =	sshll.u32 s5, $0x1;
	s2 =	sadd.s32 s19, s18  }
0x9c: {  	s6 =	simm.s32 $0x0;
	s20 =	sshll.u32 s4, $0x1;
	s4 =	sadd.s32 s21, s2  }
0x9d: {  	[timem:s6], [sflag:s22] =	dma.local [hbm:s4], s20  }
0x9e: {  	_ =	swait.ge [sflag:s22], s20  }
0x9f: {  	s3 =	ssub.s32 $0x0, s20;
	[sflag:s22] =	ssyncset.done $0x0  }
0xa0: {  	[sflag:s22] =	ssyncadd.s32 s3;
	_ =	sdelay $0x1  }
0xa1: {  	s23 =	simm.s32 $0x1B8B  }
0xa2: {  	_ =	swait.ge [sflag:s23], $0x1  }
0xa3: {  	[sflag:s23] =	ssyncset.done $0x0  }
0xa4: {  	s25 =	simm.s32 $0x1B8E;
	s24 =	sld [smem:$0x3FFE];
	[sflag:s23] =	ssyncadd.s32 $0xFFFFFFFF  }
0xa5: {  	s26 =	simm.s32 $execute0_lowered;
	[smem:$0x3FD2] =	sst s25  }
0xa6: {  	s4 =	sshll.u32 s26, $0x1;
	_ =	strace $0x80000046;
	[dreg:$0x1] =	wrdreg $0xFFFFFFFF  }
0xa7: {  	s28 =	simm.s32 $_size_execute0_lowered;
	s2 =	sadd.s32 s2, s4;
	[dreg:$0x0] =	wrdreg $0x0  }
0xa8: {  	s4 =	sshll.u32 s28, $0x1;
	[dreg:$0x2] =	wrdreg s2  }
0xa9: {  	[dreg:$0x3] =	wrdreg s4  }
0xaa: {  	[dreg:$0x4] =	wrdreg $0xC0  }
0xab: {  	_ =	task [dreg:s6], $0x5FFFF  }
0xac: {  	[dreg:$0x1] =	wrdreg $0xFFFFFFFF  }
0xad: {  	[dreg:$0x0] =	wrdreg $0x60  }
0xae: {  	[dreg:$0x2] =	wrdreg s24  }
0xaf: {  	[dreg:$0x3] =	wrdreg $0x9  }
0xb0: {  	_ =	task.clear_ibuf [dreg:s6], $0x4FFFF;
	_ =	strace $0x90000046  }
0xb1: {  	s29 =	simm.s32 $0x9;
	_ =	strace $0x80000048  }
0xb2: {  	_ =	swait.ge [sflag:s29], $0x1  }
0xb3: {  	[sflag:s29] =	ssyncadd.s32 $0xFFFFFFFF  }
0xb4: {  	_ =	strace $0x90000048  }
0xb5: {  	_ =	sfence  }
0xb6: {  	s30 =	sld [smem:$0x0];
	_ =	sdelay $0x2  }
0xb7: {  	s31 =	sshll.u32 s1, $0xD;
	s1 =	sshrl.u32 s1, $0x2  }
0xb8: {  	s3 =	sand.u32 $0x4000, s31;
	s1 =	sadd.s32 s1, s30  }
0xb9: {  	s0 =	sor.u32 s3, s0;
	s1 =	sshll.u32 s1, $0x11  }
0xba: {  	s0 =	sor.u32 s1, s0  }
0xbb: {  	s0 =	sadd.s32 $0x8F2B, s0  }
0xbc: {  	[sflag:s0] =	ssyncadd.remote.s32 $0x1  }
0xbd: {  	_ =	sfence.sel $0xFFFF  }
0xbe: {  	[dreg:$0x0] =	wrdreg $0xFFFFFFFF;
	(pc) =	sbr.abs _section_cstart, $3  }
0xbf: {  	[dreg:$0x1] =	wrdreg $0xFFFFFFFF  }
0xc0: {  	_ =	task.clear_ibuf [dreg:s6], $0x2FFFF;
	_ =	strace $0x9FFFFFFF  }
0xc1: {  	(tm) =	ssettm $0x7FFFFFFF  }
tec
execute0_lowered:
.L_overlay_start_1:
0x0: {  	(tag) =	ssettag $0x1  }
0x1: {  	s1 =	srdreg.scid  }
0x2: {  	s0 =	stileid.u32;
	s6 =	sand.u32 $0x1, s1  }
0x3: {  	s8 =	rddreg [dreg:$0x0];
	s30 =	sshll.u32 s0, $0x8;
	s2 =	sshll.u32 s6, $0x7  }
0x4: {  	s7 =	simm.s32 $0x1;
	s1 =	rddreg [dreg:$0x1];
	s9 =	sor.u32 s2, s30  }
0x5: {  	s5 =	sadd.s32 $0xC00, s8;
	s2 =	simm.s32 $0x0;
	s3 =	sshrl.u32 s9, $0x3  }
0x6: {  	s10 =	ssub.s32 $0x2, s6;
	[smem:$0x7FF] =	sst s2;
	s3 =	sadd.s32 s3, s8  }
0x7: {  	_ =	strace $0x80000047;
	s4 =	sadd.s32 $0xA00, s3;
	s3 =	simm.s32 $0x2  }
0x8: {  	[tilespmem:s2], [sflag:$0x2] =	stream.linear.gather [hbm4b:s4+s2], $0x80, $0x38;
	[tilespmem:$0x4080] =	vst v63  }
0x9: {  	s6 =	simm.s32 $0x80;
	s11 =	sshrl.u32 s10, $0x1;
	_ =	swait.ge [sflag:s3], $0x80  }
0xa: {  	s9 =	sshll.u32 s9, $0x4;
	s31 =	ssub.s32 s10, s11;
	[sflag:s3] =	ssyncset.done $0x0  }
0xb: {  	s8 =	sadd.s32 s9, s8;
	s9 =	smax.u32 s31, $0x1;
	[sflag:s3] =	ssyncadd.s32 $0xFFFFFF80  }
0xc: {  	[tilespmem:s6], [sflag:$0x1] =	stream.indirect.gather [hbm4b:s5+s6], $0x80, s2, s6, $0xb8;
	[tilespmem:$0x4080] =	vst v63  }
0xd: {  	p0 =	sne.s32 s9, $0x1;
	_ =	swait.ge [sflag:s7], $0x4000  }
.Ltmp0:
0xe: {  	[sflag:s7] =	ssyncset.done $0x0;
	(pc) =	sbr.rel @!p0 .LBB2_2-.Ltmp0, $4  }
0xf: {  	s8 =	sadd.s32 $0x20C00, s8;
	[sflag:s7] =	ssyncadd.s32 $0xFFFFC000  }
0x10: {  	[hbm4b:s8+s2] =	stream.linear.scatter [tilespmem:s6], [sflag:$0x2], $0x4000, $0x38;
	[tilespmem:$0x4080] =	vst v63  }
0x11: {  	_ =	swait.ge [sflag:s3], $0x4000  }
0x12: {  	s9 =	sadd.s32 $0xFFFFFFFF, s9;
	[sflag:s3] =	ssyncset.done $0x0  }
.LBB2_1:
0x13: {  	p0 =	sne.s32 s9, $0x1;
	s9 =	sadd.s32 $0xFFFFFFFF, s9;
	[sflag:s3] =	ssyncadd.s32 $0xFFFFC000  }
0x14: {  	[tilespmem:s2], [sflag:$0x2] =	stream.linear.gather [hbm4b:s4+s2], $0x80, $0x38;
	[tilespmem:$0x4080] =	vst v63  }
0x15: {  	_ =	swait.ge [sflag:s3], $0x80  }
0x16: {  	[sflag:s3] =	ssyncset.done $0x0  }
0x17: {  	[sflag:s3] =	ssyncadd.s32 $0xFFFFFF80  }
0x18: {  	[tilespmem:s6], [sflag:$0x1] =	stream.indirect.gather [hbm4b:s5+s6], $0x80, s2, s6, $0xb8;
	[tilespmem:$0x4080] =	vst v63  }
0x19: {  	_ =	swait.ge [sflag:s7], $0x4000  }
.Ltmp1:
0x1a: {  	[sflag:s7] =	ssyncset.done $0x0;
	(pc) =	sbr.rel @p0 .LBB2_1-.Ltmp1, $4  }
0x1b: {  	[sflag:s7] =	ssyncadd.s32 $0xFFFFC000  }
0x1c: {  	[hbm4b:s8+s2] =	stream.linear.scatter [tilespmem:s6], [sflag:$0x2], $0x4000, $0x38;
	[tilespmem:$0x4080] =	vst v63  }
0x1d: {  	_ =	swait.ge [sflag:s3], $0x4000  }
0x1e: {  	[sflag:s3] =	ssyncset.done $0x0  }
.LBB2_2:
0x1f: {  	[sflag:s3] =	ssyncadd.s32 $0xFFFFC000  }
0x20: {  	_ =	sfence.sel $0x180000  }
0x21: {  	[bflag:$0x0] =	sbarrier.arrive $0xFFFF  }
0x22: {  	p0 =	sne.s32 s0, $0x0;
	_ =	strace $0x90000047  }
0x23: {  	s0 =	sadd.s32 @!p0 $0x100000, s1;
	[bflag:$0x2] =	sbarrier.arrive $0xFFFF  }
0x24: {  	[sflag:s0] =	ssyncadd.tile.s32 @!p0 $0x1;
	_ =	shalt  }
.Lfunc_end2:
_tile_overlayer_lowered:
.L_overlay_start_2:
0x25: {  	(tag) =	ssettag $0x2  }
0x26: {  	s0 =	rddreg [dreg:$0x0];
	s2 =	stileid.u32  }
0x27: {  	s1 =	rddreg [dreg:$0x1];
	p0 =	sne.s32 s2, $0x0  }
0x28: {  	s3 =	rddreg [dreg:$0x2];
	[bflag:$0x3] =	sbarrier.arrive $0xFFFF;
	s2 =	simm.s32 @!p0 $0x1C02  }
0x29: {  	[timem:s3], [sflag:s2] =	dma.local @!p0 [hbm:s0], s1  }
0x2a: {  	s0 =	simm.s32 @!p0 $0x2  }
0x2b: {  	_ =	swait.ge @!p0 [sflag:s0], s1  }
0x2c: {  	s1 =	ssub.s32 @!p0 $0x0, s1;
	[sflag:s0] =	ssyncset.done @!p0 $0x0  }
0x2d: {  	[sflag:s0] =	ssyncadd.s32 @!p0 s1  }
0x2e: {  	[bflag:$0x3] =	sbarrier.arrive $0xFFFF  }
0x2f: {  	_ =	shalt  }

</sc_bundles>
